<compile_context>
chip_gen: v7x
topology: tpu7x:2x2x1
jax: 0.10.2.dev20260603
libtpu: 0.0.44.dev20260713+nightly
codegen_flags: <defaults>
</compile_context>

<pallas_src>
import functools

import jax
import jax.numpy as jnp
from jax import lax
from jax.experimental import pallas as pl
from jax.experimental.pallas import tpu as pltpu
from jax.experimental.pallas import tpu_sc as plsc

N_NODES = 10000
NODE_DIM = 128
N_EDGES = 320000
MAX_DEG = 512

NH = 10240
N_CORES = 2
N_SUB = 16
NW = N_CORES * N_SUB
EPT = 9984
EPT_LAST = N_EDGES - (NW - 1) * EPT
SLICE = NH // N_SUB


def _hist_body(edges_hbm, out_hbm,
               buf_v, gbuf_v, priv_in, priv_out, acc_in, acc_out,
               stage_in_sh, stage_out_sh, sem):
    c = lax.axis_index("c")
    s = lax.axis_index("s")
    g = c * N_SUB + s

    cp = pltpu.make_async_copy(
        edges_hbm.at[:, pl.ds(g * EPT, EPT_LAST)], buf_v, sem)
    cp.start()

    zeros = jnp.zeros((16,), jnp.int32)

    @plsc.parallel_loop(0, NH // 16, unroll=8)
    def zloop(i):
        priv_in[pl.ds(i * 16, 16)] = zeros
        priv_out[pl.ds(i * 16, 16)] = zeros

    cp.wait()

    n_vec = jnp.where(g == NW - 1, EPT_LAST // 16, EPT // 16)

    @plsc.parallel_loop(0, n_vec, unroll=8)
    def hloop_in(i):
        ids_i = buf_v[1, pl.ds(i * 16, 16)]
        cnt_i, last_i = plsc.scan_count(ids_i)
        plsc.addupdate_scatter(priv_in, [ids_i], cnt_i, mask=last_i)

    p1 = pltpu.make_async_copy(priv_in, stage_in_sh.at[s], sem)
    p1.start()

    @plsc.parallel_loop(0, n_vec, unroll=8)
    def hloop_out(i):
        ids_o = buf_v[0, pl.ds(i * 16, 16)]
        cnt_o, last_o = plsc.scan_count(ids_o)
        plsc.addupdate_scatter(priv_out, [ids_o], cnt_o, mask=last_o)

    p2 = pltpu.make_async_copy(priv_out, stage_out_sh.at[s], sem)
    p2.start()
    p1.wait()
    p2.wait()
    plsc.subcore_barrier()

    g1 = pltpu.make_async_copy(stage_in_sh.at[:, pl.ds(s * SLICE, SLICE)],
                               gbuf_v.at[0], sem)
    g2 = pltpu.make_async_copy(stage_out_sh.at[:, pl.ds(s * SLICE, SLICE)],
                               gbuf_v.at[1], sem)
    g1.start()
    g2.start()
    g1.wait()
    g2.wait()

    @plsc.parallel_loop(0, SLICE // 16, unroll=2)
    def rloop(k):
        base = k * 16
        a = gbuf_v[0, 0, pl.ds(base, 16)]
        b = gbuf_v[1, 0, pl.ds(base, 16)]
        for t in range(1, N_SUB):
            a = a + gbuf_v[0, t, pl.ds(base, 16)]
            b = b + gbuf_v[1, t, pl.ds(base, 16)]
        acc_in[pl.ds(base, 16)] = a
        acc_out[pl.ds(base, 16)] = b

    w1 = pltpu.make_async_copy(acc_in, out_hbm.at[c, pl.ds(s * SLICE, SLICE)], sem)
    w2 = pltpu.make_async_copy(acc_out, out_hbm.at[2 + c, pl.ds(s * SLICE, SLICE)], sem)
    w1.start()
    w2.start()
    w1.wait()
    w2.wait()


_hist = functools.partial(
    pl.kernel,
    out_type=jax.ShapeDtypeStruct((4, NH), jnp.int32),
    mesh=plsc.VectorSubcoreMesh(core_axis_name="c", subcore_axis_name="s"),
    compiler_params=pltpu.CompilerParams(
        needs_layout_passes=False, use_tc_tiling_on_sc=True),
    scratch_types=[
        pltpu.VMEM((2, EPT_LAST), jnp.int32),
        pltpu.VMEM((2, N_SUB, SLICE), jnp.int32),
        pltpu.VMEM((NH,), jnp.int32),
        pltpu.VMEM((NH,), jnp.int32),
        pltpu.VMEM((SLICE,), jnp.int32),
        pltpu.VMEM((SLICE,), jnp.int32),
        pltpu.VMEM_SHARED((N_SUB, NH), jnp.int32),
        pltpu.VMEM_SHARED((N_SUB, NH), jnp.int32),
        pltpu.SemaphoreType.DMA,
    ],
)(_hist_body)


BN = 5120
DC = 64


def _enc_body(h_ref, x_ref, zin_ref, zout_ref, o_ref):
    h = h_ref[...]
    deg_in = jnp.minimum(h[0] + h[1], MAX_DEG - 1)
    deg_out = jnp.minimum(h[2] + h[3], MAX_DEG - 1)
    dm_in = jnp.max(deg_in)
    dm_out = jnp.max(deg_out)
    iota = lax.broadcasted_iota(jnp.int32, (BN, DC), 1)
    o_ref[...] = x_ref[...]

    for k in range(MAX_DEG // DC):
        @pl.when(dm_in >= k * DC)
        def _():
            oh = (deg_in[:, None] == iota + (k * DC)).astype(jnp.bfloat16)
            zb = zin_ref[pl.ds(k * DC, DC), :].astype(jnp.bfloat16)
            o_ref[...] += jnp.dot(oh, zb, preferred_element_type=jnp.float32)

        @pl.when(dm_out >= k * DC)
        def _():
            oh = (deg_out[:, None] == iota + (k * DC)).astype(jnp.bfloat16)
            zb = zout_ref[pl.ds(k * DC, DC), :].astype(jnp.bfloat16)
            o_ref[...] += jnp.dot(oh, zb, preferred_element_type=jnp.float32)


def kernel(x, edge_index, z_in, z_out):
    e = edge_index.astype(jnp.int32)
    h4 = _hist(e)

    return pl.pallas_call(
        _enc_body,
        grid=(pl.cdiv(N_NODES, BN),),
        in_specs=[
            pl.BlockSpec((4, BN), lambda i: (0, i)),
            pl.BlockSpec((BN, NODE_DIM), lambda i: (i, 0)),
            pl.BlockSpec((MAX_DEG, NODE_DIM), lambda i: (0, 0)),
            pl.BlockSpec((MAX_DEG, NODE_DIM), lambda i: (0, 0)),
        ],
        out_specs=pl.BlockSpec((BN, NODE_DIM), lambda i: (i, 0)),
        out_shape=jax.ShapeDtypeStruct((N_NODES, NODE_DIM), jnp.float32),
    )(h4, x, z_in, z_out)

# --- scband reference (transcript-rebuilt; emitter-appended) ---
"""Pipeline reference for scband-centrality-encoding-20985210208826 (READ-ONLY COPY).

The authoritative reference and input builder live on the scoring server;
editing this copy changes nothing except your own understanding.
"""

import jax, jax.numpy as jnp
import numpy as np

MAX_IN_DEGREE = 512
MAX_OUT_DEGREE = 512
NODE_DIM = 128
N_NODES = 10000
N_EDGES = 320000


def setup_inputs(seed: int = 0) -> dict:
    key = jax.random.key(seed)
    k1, k2, k3, k4 = jax.random.split(key, 4)
    x = jax.random.normal(k1, (N_NODES, NODE_DIM), dtype=jnp.float32)
    edge_index = jax.random.randint(k2, (2, N_EDGES), 0, N_NODES, dtype=jnp.int64)
    # lecun_normal: stddev = sqrt(1 / fan_in); fan_in = max_degree for (max_degree, node_dim) param
    z_in = jax.random.normal(k3, (MAX_IN_DEGREE, NODE_DIM), dtype=jnp.float32) * jnp.sqrt(1.0 / MAX_IN_DEGREE)
    z_out = jax.random.normal(k4, (MAX_OUT_DEGREE, NODE_DIM), dtype=jnp.float32) * jnp.sqrt(1.0 / MAX_OUT_DEGREE)
    return {"x": x, "edge_index": edge_index, "z_in": z_in, "z_out": z_out}


def _compute_degree(indices, num_nodes, max_value):
    degrees = jnp.zeros(num_nodes, dtype=jnp.int32)
    degrees = degrees.at[indices].add(1)
    degrees = jnp.minimum(degrees, max_value)
    return degrees


def reference(x, edge_index, z_in, z_out):
    num_nodes = x.shape[0]
    in_degree = _compute_degree(edge_index[1], num_nodes, z_in.shape[0] - 1)
    out_degree = _compute_degree(edge_index[0], num_nodes, z_out.shape[0] - 1)
    x = x + z_in[in_degree] + z_out[out_degree]
    return x

if __name__ == "__main__":
    import jax
    _d = setup_inputs()
    print(jax.jit(kernel)(*tuple(_d.values())))

</pallas_src>

<mosaic_0001>
#map = affine_map<(d0, d1) -> (0, 0)>
module attributes {stable_mosaic.version = 14 : i64} {
  func.func @_hist_body(%arg0: i32, %arg1: i32, %arg2: memref<2x320000xi32, #tpu.memory_space<hbm>>, %arg3: memref<4x10240xi32, #tpu.memory_space<hbm>>, %arg4: memref<2x10496xi32, #tpu.memory_space<vmem>>, %arg5: memref<2x16x640xi32, #tpu.memory_space<vmem>>, %arg6: memref<10240xi32, #tpu.memory_space<vmem>>, %arg7: memref<10240xi32, #tpu.memory_space<vmem>>, %arg8: memref<640xi32, #tpu.memory_space<vmem>>, %arg9: memref<640xi32, #tpu.memory_space<vmem>>, %arg10: memref<16x10240xi32, #tpu.memory_space<vmem_shared>>, %arg11: memref<16x10240xi32, #tpu.memory_space<vmem_shared>>, %arg12: memref<!tpu.dma_semaphore, #tpu.memory_space<semaphore_mem>>) attributes {dimension_semantics = [#tpu.dimension_semantics<core_parallel>, #tpu.dimension_semantics<subcore_parallel>], iteration_bounds = array<i64: 2, 16>, scalar_prefetch = 0 : i64, scratch_operands = 9 : i64, tpu.core_type = #tpu.core_type<sc_vector_subcore>, window_params = [{transform_indices = #map}, {transform_indices = #map}]} {
    %mul3A = arith.constant 16 : i32
    %mul3A_0 = arith.muli %arg0, %mul3A : i32
    %add3A = arith.addi %mul3A_0, %arg1 : i32
    %mul3A_1 = arith.constant 9984 : i32
    %mul3A_2 = arith.muli %add3A, %mul3A_1 : i32
    %dma_start3A = arith.constant 0 : i32
    %dma_start3A_3 = tpu.memref_slice %arg2[%dma_start3A, %mul3A_2] : memref<2x320000xi32, #tpu.memory_space<hbm>> -> memref<2x10496xi32, #tpu.memory_space<hbm>>
    %dma_start3A_4 = arith.constant 0 : i32
    %dma_start3A_5 = tpu.memref_slice %arg2[%dma_start3A_4, %mul3A_2] : memref<2x320000xi32, #tpu.memory_space<hbm>> -> memref<2x10496xi32, #tpu.memory_space<hbm>>
    tpu.enqueue_dma source(%dma_start3A_5 : memref<2x10496xi32, #tpu.memory_space<hbm>>) target(%arg4 : memref<2x10496xi32, #tpu.memory_space<vmem>>) target_semaphore(%arg12 : memref<!tpu.dma_semaphore, #tpu.memory_space<semaphore_mem>>)
    %broadcast_in_dim3A = arith.constant 0 : i32
    %broadcast_in_dim3A_6 = vector.broadcast %broadcast_in_dim3A : i32 to vector<16xi32>
    %parallel_loop3A = arith.constant 0 : i32
    %parallel_loop3A_7 = arith.constant 640 : i32
    %parallel_loop3A_8 = arith.constant 1 : i32
    scf.for %parallel_loop3A_123 = %parallel_loop3A to %parallel_loop3A_7 step %parallel_loop3A_8  : i32 {
      %parallel_loop3A_124 = arith.constant 16 : i32
      %parallel_loop3A_125 = arith.muli %parallel_loop3A_123, %parallel_loop3A_124 : i32
      %parallel_loop3A_126 = arith.index_cast %parallel_loop3A_125 : i32 to index
      %parallel_loop3A_127 = tpu.vector_load %arg6[%parallel_loop3A_126] {strides = array<i32>} : memref<10240xi32, #tpu.memory_space<vmem>>, vector<16xi32>,
      tpu.vector_store %arg6[%parallel_loop3A_126], %broadcast_in_dim3A_6 {strides = array<i32>} : memref<10240xi32, #tpu.memory_space<vmem>>, vector<16xi32>,
      %parallel_loop3A_128 = arith.constant 16 : i32
      %parallel_loop3A_129 = arith.muli %parallel_loop3A_123, %parallel_loop3A_128 : i32
      %parallel_loop3A_130 = arith.index_cast %parallel_loop3A_129 : i32 to index
      %parallel_loop3A_131 = tpu.vector_load %arg7[%parallel_loop3A_130] {strides = array<i32>} : memref<10240xi32, #tpu.memory_space<vmem>>, vector<16xi32>,
      tpu.vector_store %arg7[%parallel_loop3A_130], %broadcast_in_dim3A_6 {strides = array<i32>} : memref<10240xi32, #tpu.memory_space<vmem>>, vector<16xi32>,
    } {sc.loop_unroll_factor = 8 : i64, sc.parallel_access}
    %dma_wait3A = arith.constant 0 : i32
    %dma_wait3A_9 = tpu.memref_slice %arg2[%dma_wait3A, %mul3A_2] : memref<2x320000xi32, #tpu.memory_space<hbm>> -> memref<2x10496xi32, #tpu.memory_space<hbm>>
    %dma_wait3A_10 = arith.constant 0 : i32
    %dma_wait3A_11 = tpu.memref_slice %arg2[%dma_wait3A_10, %mul3A_2] : memref<2x320000xi32, #tpu.memory_space<hbm>> -> memref<2x10496xi32, #tpu.memory_space<hbm>>
    tpu.wait_dma2 semaphore(%arg12 : memref<!tpu.dma_semaphore, #tpu.memory_space<semaphore_mem>>) src(%dma_wait3A_11 : memref<2x10496xi32, #tpu.memory_space<hbm>>) dst(%arg4 : memref<2x10496xi32, #tpu.memory_space<vmem>>)
    %eq3A = arith.constant 31 : i32
    %eq3A_12 = arith.cmpi eq, %add3A, %eq3A : i32
    %jit3A = arith.constant 656 : i32
    %jit3A_13 = arith.constant 624 : i32
    %select_n3A = arith.select %eq3A_12, %jit3A, %jit3A_13 : i32
    %parallel_loop3A_14 = arith.constant 0 : i32
    %parallel_loop3A_15 = arith.constant 1 : i32
    scf.for %parallel_loop3A_123 = %parallel_loop3A_14 to %select_n3A step %parallel_loop3A_15  : i32 {
      %parallel_loop3A_124 = arith.constant 16 : i32
      %parallel_loop3A_125 = arith.muli %parallel_loop3A_123, %parallel_loop3A_124 : i32
      %parallel_loop3A_126 = arith.constant 1 : i32
      %parallel_loop3A_127 = arith.index_cast %parallel_loop3A_126 : i32 to index
      %parallel_loop3A_128 = arith.index_cast %parallel_loop3A_125 : i32 to index
      %parallel_loop3A_129 = tpu.vector_load %arg4[%parallel_loop3A_127, %parallel_loop3A_128] {strides = array<i32>} : memref<2x10496xi32, #tpu.memory_space<vmem>>, vector<16xi32>,
      %parallel_loop3A_130 = arith.constant true
      %parallel_loop3A_131 = vector.broadcast %parallel_loop3A_130 : i1 to vector<16xi1>
      %parallel_loop3A_132, %parallel_loop3A_133 = tpu.scan_count mask(%parallel_loop3A_131 : vector<16xi1>) value(%parallel_loop3A_129 : vector<16xi32>) : vector<16xi1>, vector<16xi32>
      tpu.vector_store_idx %arg6[%parallel_loop3A_129], %parallel_loop3A_133 masked %parallel_loop3A_132 {add = true} : memref<10240xi32, #tpu.memory_space<vmem>>[vector<16xi32>], vector<16xi32>, vector<16xi1>
    } {sc.loop_unroll_factor = 8 : i64, sc.parallel_access}
    %dma_start3A_16 = arith.constant 0 : i32
    %dma_start3A_17 = tpu.memref_slice %arg10[%arg1, %dma_start3A_16] : memref<16x10240xi32, #tpu.memory_space<vmem_shared>> -> memref<1x10240xi32, #tpu.memory_space<vmem_shared>>
    %dma_start3A_18 = tpu.memref_squeeze %dma_start3A_17 : memref<1x10240xi32, #tpu.memory_space<vmem_shared>> -> memref<10240xi32, #tpu.memory_space<vmem_shared>>
    %dma_start3A_19 = arith.constant 0 : i32
    %dma_start3A_20 = tpu.memref_slice %arg10[%arg1, %dma_start3A_19] : memref<16x10240xi32, #tpu.memory_space<vmem_shared>> -> memref<1x10240xi32, #tpu.memory_space<vmem_shared>>
    %dma_start3A_21 = tpu.memref_squeeze %dma_start3A_20 : memref<1x10240xi32, #tpu.memory_space<vmem_shared>> -> memref<10240xi32, #tpu.memory_space<vmem_shared>>
    tpu.enqueue_dma source(%arg6 : memref<10240xi32, #tpu.memory_space<vmem>>) target(%dma_start3A_21 : memref<10240xi32, #tpu.memory_space<vmem_shared>>) target_semaphore(%arg12 : memref<!tpu.dma_semaphore, #tpu.memory_space<semaphore_mem>>)
    %parallel_loop3A_22 = arith.constant 0 : i32
    %parallel_loop3A_23 = arith.constant 1 : i32
    scf.for %parallel_loop3A_123 = %parallel_loop3A_22 to %select_n3A step %parallel_loop3A_23  : i32 {
      %parallel_loop3A_124 = arith.constant 16 : i32
      %parallel_loop3A_125 = arith.muli %parallel_loop3A_123, %parallel_loop3A_124 : i32
      %parallel_loop3A_126 = arith.constant 0 : i32
      %parallel_loop3A_127 = arith.index_cast %parallel_loop3A_126 : i32 to index
      %parallel_loop3A_128 = arith.index_cast %parallel_loop3A_125 : i32 to index
      %parallel_loop3A_129 = tpu.vector_load %arg4[%parallel_loop3A_127, %parallel_loop3A_128] {strides = array<i32>} : memref<2x10496xi32, #tpu.memory_space<vmem>>, vector<16xi32>,
      %parallel_loop3A_130 = arith.constant true
      %parallel_loop3A_131 = vector.broadcast %parallel_loop3A_130 : i1 to vector<16xi1>
      %parallel_loop3A_132, %parallel_loop3A_133 = tpu.scan_count mask(%parallel_loop3A_131 : vector<16xi1>) value(%parallel_loop3A_129 : vector<16xi32>) : vector<16xi1>, vector<16xi32>
      tpu.vector_store_idx %arg7[%parallel_loop3A_129], %parallel_loop3A_133 masked %parallel_loop3A_132 {add = true} : memref<10240xi32, #tpu.memory_space<vmem>>[vector<16xi32>], vector<16xi32>, vector<16xi1>
    } {sc.loop_unroll_factor = 8 : i64, sc.parallel_access}
    %dma_start3A_24 = arith.constant 0 : i32
    %dma_start3A_25 = tpu.memref_slice %arg11[%arg1, %dma_start3A_24] : memref<16x10240xi32, #tpu.memory_space<vmem_shared>> -> memref<1x10240xi32, #tpu.memory_space<vmem_shared>>
    %dma_start3A_26 = tpu.memref_squeeze %dma_start3A_25 : memref<1x10240xi32, #tpu.memory_space<vmem_shared>> -> memref<10240xi32, #tpu.memory_space<vmem_shared>>
    %dma_start3A_27 = arith.constant 0 : i32
    %dma_start3A_28 = tpu.memref_slice %arg11[%arg1, %dma_start3A_27] : memref<16x10240xi32, #tpu.memory_space<vmem_shared>> -> memref<1x10240xi32, #tpu.memory_space<vmem_shared>>
    %dma_start3A_29 = tpu.memref_squeeze %dma_start3A_28 : memref<1x10240xi32, #tpu.memory_space<vmem_shared>> -> memref<10240xi32, #tpu.memory_space<vmem_shared>>
    tpu.enqueue_dma source(%arg7 : memref<10240xi32, #tpu.memory_space<vmem>>) target(%dma_start3A_29 : memref<10240xi32, #tpu.memory_space<vmem_shared>>) target_semaphore(%arg12 : memref<!tpu.dma_semaphore, #tpu.memory_space<semaphore_mem>>)
    %dma_wait3A_30 = arith.constant 0 : i32
    %dma_wait3A_31 = tpu.memref_slice %arg10[%arg1, %dma_wait3A_30] : memref<16x10240xi32, #tpu.memory_space<vmem_shared>> -> memref<1x10240xi32, #tpu.memory_space<vmem_shared>>
    %dma_wait3A_32 = tpu.memref_squeeze %dma_wait3A_31 : memref<1x10240xi32, #tpu.memory_space<vmem_shared>> -> memref<10240xi32, #tpu.memory_space<vmem_shared>>
    %dma_wait3A_33 = arith.constant 0 : i32
    %dma_wait3A_34 = tpu.memref_slice %arg10[%arg1, %dma_wait3A_33] : memref<16x10240xi32, #tpu.memory_space<vmem_shared>> -> memref<1x10240xi32, #tpu.memory_space<vmem_shared>>
    %dma_wait3A_35 = tpu.memref_squeeze %dma_wait3A_34 : memref<1x10240xi32, #tpu.memory_space<vmem_shared>> -> memref<10240xi32, #tpu.memory_space<vmem_shared>>
    tpu.wait_dma2 semaphore(%arg12 : memref<!tpu.dma_semaphore, #tpu.memory_space<semaphore_mem>>) src(%arg6 : memref<10240xi32, #tpu.memory_space<vmem>>) dst(%dma_wait3A_35 : memref<10240xi32, #tpu.memory_space<vmem_shared>>)
    %dma_wait3A_36 = arith.constant 0 : i32
    %dma_wait3A_37 = tpu.memref_slice %arg11[%arg1, %dma_wait3A_36] : memref<16x10240xi32, #tpu.memory_space<vmem_shared>> -> memref<1x10240xi32, #tpu.memory_space<vmem_shared>>
    %dma_wait3A_38 = tpu.memref_squeeze %dma_wait3A_37 : memref<1x10240xi32, #tpu.memory_space<vmem_shared>> -> memref<10240xi32, #tpu.memory_space<vmem_shared>>
    %dma_wait3A_39 = arith.constant 0 : i32
    %dma_wait3A_40 = tpu.memref_slice %arg11[%arg1, %dma_wait3A_39] : memref<16x10240xi32, #tpu.memory_space<vmem_shared>> -> memref<1x10240xi32, #tpu.memory_space<vmem_shared>>
    %dma_wait3A_41 = tpu.memref_squeeze %dma_wait3A_40 : memref<1x10240xi32, #tpu.memory_space<vmem_shared>> -> memref<10240xi32, #tpu.memory_space<vmem_shared>>
    tpu.wait_dma2 semaphore(%arg12 : memref<!tpu.dma_semaphore, #tpu.memory_space<semaphore_mem>>) src(%arg7 : memref<10240xi32, #tpu.memory_space<vmem>>) dst(%dma_wait3A_41 : memref<10240xi32, #tpu.memory_space<vmem_shared>>)
    %barrier3A = arith.constant 0 : index
    tpu.barrier barrier_id(%barrier3A)
    %mul3A_42 = arith.constant 640 : i32
    %mul3A_43 = arith.muli %arg1, %mul3A_42 : i32
    %mul3A_44 = arith.constant 640 : i32
    %mul3A_45 = arith.muli %arg1, %mul3A_44 : i32
    %dma_start3A_46 = arith.constant 0 : i32
    %dma_start3A_47 = arith.constant 0 : i32
    %dma_start3A_48 = arith.constant 0 : i32
    %dma_start3A_49 = tpu.memref_slice %arg5[%dma_start3A_46, %dma_start3A_47, %dma_start3A_48] : memref<2x16x640xi32, #tpu.memory_space<vmem>> -> memref<1x16x640xi32, #tpu.memory_space<vmem>>
    %dma_start3A_50 = tpu.memref_squeeze %dma_start3A_49 : memref<1x16x640xi32, #tpu.memory_space<vmem>> -> memref<16x640xi32, #tpu.memory_space<vmem>>
    %dma_start3A_51 = arith.constant 0 : i32
    %dma_start3A_52 = tpu.memref_slice %arg10[%dma_start3A_51, %mul3A_43] : memref<16x10240xi32, #tpu.memory_space<vmem_shared>> -> memref<16x640xi32, #tpu.memory_space<vmem_shared>>
    %dma_start3A_53 = arith.constant 0 : i32
    %dma_start3A_54 = arith.constant 0 : i32
    %dma_start3A_55 = tpu.memref_slice %arg5[%dma_start3A_46, %dma_start3A_53, %dma_start3A_54] : memref<2x16x640xi32, #tpu.memory_space<vmem>> -> memref<1x16x640xi32, #tpu.memory_space<vmem>>
    %dma_start3A_56 = tpu.memref_squeeze %dma_start3A_55 : memref<1x16x640xi32, #tpu.memory_space<vmem>> -> memref<16x640xi32, #tpu.memory_space<vmem>>
    %dma_start3A_57 = arith.constant 0 : i32
    %dma_start3A_58 = tpu.memref_slice %arg10[%dma_start3A_57, %mul3A_43] : memref<16x10240xi32, #tpu.memory_space<vmem_shared>> -> memref<16x640xi32, #tpu.memory_space<vmem_shared>>
    tpu.enqueue_dma source(%dma_start3A_58 : memref<16x640xi32, #tpu.memory_space<vmem_shared>>) target(%dma_start3A_56 : memref<16x640xi32, #tpu.memory_space<vmem>>) target_semaphore(%arg12 : memref<!tpu.dma_semaphore, #tpu.memory_space<semaphore_mem>>)
    %dma_start3A_59 = arith.constant 1 : i32
    %dma_start3A_60 = arith.constant 0 : i32
    %dma_start3A_61 = arith.constant 0 : i32
    %dma_start3A_62 = tpu.memref_slice %arg5[%dma_start3A_59, %dma_start3A_60, %dma_start3A_61] : memref<2x16x640xi32, #tpu.memory_space<vmem>> -> memref<1x16x640xi32, #tpu.memory_space<vmem>>
    %dma_start3A_63 = tpu.memref_squeeze %dma_start3A_62 : memref<1x16x640xi32, #tpu.memory_space<vmem>> -> memref<16x640xi32, #tpu.memory_space<vmem>>
    %dma_start3A_64 = arith.constant 0 : i32
    %dma_start3A_65 = tpu.memref_slice %arg11[%dma_start3A_64, %mul3A_45] : memref<16x10240xi32, #tpu.memory_space<vmem_shared>> -> memref<16x640xi32, #tpu.memory_space<vmem_shared>>
    %dma_start3A_66 = arith.constant 0 : i32
    %dma_start3A_67 = arith.constant 0 : i32
    %dma_start3A_68 = tpu.memref_slice %arg5[%dma_start3A_59, %dma_start3A_66, %dma_start3A_67] : memref<2x16x640xi32, #tpu.memory_space<vmem>> -> memref<1x16x640xi32, #tpu.memory_space<vmem>>
    %dma_start3A_69 = tpu.memref_squeeze %dma_start3A_68 : memref<1x16x640xi32, #tpu.memory_space<vmem>> -> memref<16x640xi32, #tpu.memory_space<vmem>>
    %dma_start3A_70 = arith.constant 0 : i32
    %dma_start3A_71 = tpu.memref_slice %arg11[%dma_start3A_70, %mul3A_45] : memref<16x10240xi32, #tpu.memory_space<vmem_shared>> -> memref<16x640xi32, #tpu.memory_space<vmem_shared>>
    tpu.enqueue_dma source(%dma_start3A_71 : memref<16x640xi32, #tpu.memory_space<vmem_shared>>) target(%dma_start3A_69 : memref<16x640xi32, #tpu.memory_space<vmem>>) target_semaphore(%arg12 : memref<!tpu.dma_semaphore, #tpu.memory_space<semaphore_mem>>)
    %dma_wait3A_72 = arith.constant 0 : i32
    %dma_wait3A_73 = arith.constant 0 : i32
    %dma_wait3A_74 = arith.constant 0 : i32
    %dma_wait3A_75 = tpu.memref_slice %arg5[%dma_wait3A_72, %dma_wait3A_73, %dma_wait3A_74] : memref<2x16x640xi32, #tpu.memory_space<vmem>> -> memref<1x16x640xi32, #tpu.memory_space<vmem>>
    %dma_wait3A_76 = tpu.memref_squeeze %dma_wait3A_75 : memref<1x16x640xi32, #tpu.memory_space<vmem>> -> memref<16x640xi32, #tpu.memory_space<vmem>>
    %dma_wait3A_77 = arith.constant 0 : i32
    %dma_wait3A_78 = tpu.memref_slice %arg10[%dma_wait3A_77, %mul3A_43] : memref<16x10240xi32, #tpu.memory_space<vmem_shared>> -> memref<16x640xi32, #tpu.memory_space<vmem_shared>>
    %dma_wait3A_79 = arith.constant 0 : i32
    %dma_wait3A_80 = arith.constant 0 : i32
    %dma_wait3A_81 = tpu.memref_slice %arg5[%dma_wait3A_72, %dma_wait3A_79, %dma_wait3A_80] : memref<2x16x640xi32, #tpu.memory_space<vmem>> -> memref<1x16x640xi32, #tpu.memory_space<vmem>>
    %dma_wait3A_82 = tpu.memref_squeeze %dma_wait3A_81 : memref<1x16x640xi32, #tpu.memory_space<vmem>> -> memref<16x640xi32, #tpu.memory_space<vmem>>
    %dma_wait3A_83 = arith.constant 0 : i32
    %dma_wait3A_84 = tpu.memref_slice %arg10[%dma_wait3A_83, %mul3A_43] : memref<16x10240xi32, #tpu.memory_space<vmem_shared>> -> memref<16x640xi32, #tpu.memory_space<vmem_shared>>
    tpu.wait_dma2 semaphore(%arg12 : memref<!tpu.dma_semaphore, #tpu.memory_space<semaphore_mem>>) src(%dma_wait3A_84 : memref<16x640xi32, #tpu.memory_space<vmem_shared>>) dst(%dma_wait3A_82 : memref<16x640xi32, #tpu.memory_space<vmem>>)
    %dma_wait3A_85 = arith.constant 1 : i32
    %dma_wait3A_86 = arith.constant 0 : i32
    %dma_wait3A_87 = arith.constant 0 : i32
    %dma_wait3A_88 = tpu.memref_slice %arg5[%dma_wait3A_85, %dma_wait3A_86, %dma_wait3A_87] : memref<2x16x640xi32, #tpu.memory_space<vmem>> -> memref<1x16x640xi32, #tpu.memory_space<vmem>>
    %dma_wait3A_89 = tpu.memref_squeeze %dma_wait3A_88 : memref<1x16x640xi32, #tpu.memory_space<vmem>> -> memref<16x640xi32, #tpu.memory_space<vmem>>
    %dma_wait3A_90 = arith.constant 0 : i32
    %dma_wait3A_91 = tpu.memref_slice %arg11[%dma_wait3A_90, %mul3A_45] : memref<16x10240xi32, #tpu.memory_space<vmem_shared>> -> memref<16x640xi32, #tpu.memory_space<vmem_shared>>
    %dma_wait3A_92 = arith.constant 0 : i32
    %dma_wait3A_93 = arith.constant 0 : i32
    %dma_wait3A_94 = tpu.memref_slice %arg5[%dma_wait3A_85, %dma_wait3A_92, %dma_wait3A_93] : memref<2x16x640xi32, #tpu.memory_space<vmem>> -> memref<1x16x640xi32, #tpu.memory_space<vmem>>
    %dma_wait3A_95 = tpu.memref_squeeze %dma_wait3A_94 : memref<1x16x640xi32, #tpu.memory_space<vmem>> -> memref<16x640xi32, #tpu.memory_space<vmem>>
    %dma_wait3A_96 = arith.constant 0 : i32
    %dma_wait3A_97 = tpu.memref_slice %arg11[%dma_wait3A_96, %mul3A_45] : memref<16x10240xi32, #tpu.memory_space<vmem_shared>> -> memref<16x640xi32, #tpu.memory_space<vmem_shared>>
    tpu.wait_dma2 semaphore(%arg12 : memref<!tpu.dma_semaphore, #tpu.memory_space<semaphore_mem>>) src(%dma_wait3A_97 : memref<16x640xi32, #tpu.memory_space<vmem_shared>>) dst(%dma_wait3A_95 : memref<16x640xi32, #tpu.memory_space<vmem>>)
    %parallel_loop3A_98 = arith.constant 0 : i32
    %parallel_loop3A_99 = arith.constant 40 : i32
    %parallel_loop3A_100 = arith.constant 1 : i32
    scf.for %parallel_loop3A_123 = %parallel_loop3A_98 to %parallel_loop3A_99 step %parallel_loop3A_100  : i32 {
      %parallel_loop3A_124 = arith.constant 16 : i32
      %parallel_loop3A_125 = arith.muli %parallel_loop3A_123, %parallel_loop3A_124 : i32
      %parallel_loop3A_126 = arith.constant 0 : i32
      %parallel_loop3A_127 = arith.constant 0 : i32
      %parallel_loop3A_128 = arith.index_cast %parallel_loop3A_126 : i32 to index
      %parallel_loop3A_129 = arith.index_cast %parallel_loop3A_127 : i32 to index
      %parallel_loop3A_130 = arith.index_cast %parallel_loop3A_125 : i32 to index
      %parallel_loop3A_131 = tpu.vector_load %arg5[%parallel_loop3A_128, %parallel_loop3A_129, %parallel_loop3A_130] {strides = array<i32>} : memref<2x16x640xi32, #tpu.memory_space<vmem>>, vector<16xi32>,
      %parallel_loop3A_132 = arith.constant 1 : i32
      %parallel_loop3A_133 = arith.constant 0 : i32
      %parallel_loop3A_134 = arith.index_cast %parallel_loop3A_132 : i32 to index
      %parallel_loop3A_135 = arith.index_cast %parallel_loop3A_133 : i32 to index
      %parallel_loop3A_136 = arith.index_cast %parallel_loop3A_125 : i32 to index
      %parallel_loop3A_137 = tpu.vector_load %arg5[%parallel_loop3A_134, %parallel_loop3A_135, %parallel_loop3A_136] {strides = array<i32>} : memref<2x16x640xi32, #tpu.memory_space<vmem>>, vector<16xi32>,
      %parallel_loop3A_138 = arith.constant 0 : i32
      %parallel_loop3A_139 = arith.constant 1 : i32
      %parallel_loop3A_140 = arith.index_cast %parallel_loop3A_138 : i32 to index
      %parallel_loop3A_141 = arith.index_cast %parallel_loop3A_139 : i32 to index
      %parallel_loop3A_142 = arith.index_cast %parallel_loop3A_125 : i32 to index
      %parallel_loop3A_143 = tpu.vector_load %arg5[%parallel_loop3A_140, %parallel_loop3A_141, %parallel_loop3A_142] {strides = array<i32>} : memref<2x16x640xi32, #tpu.memory_space<vmem>>, vector<16xi32>,
      %parallel_loop3A_144 = arith.addi %parallel_loop3A_131, %parallel_loop3A_143 : vector<16xi32>
      %parallel_loop3A_145 = arith.constant 1 : i32
      %parallel_loop3A_146 = arith.constant 1 : i32
      %parallel_loop3A_147 = arith.index_cast %parallel_loop3A_145 : i32 to index
      %parallel_loop3A_148 = arith.index_cast %parallel_loop3A_146 : i32 to index
      %parallel_loop3A_149 = arith.index_cast %parallel_loop3A_125 : i32 to index
      %parallel_loop3A_150 = tpu.vector_load %arg5[%parallel_loop3A_147, %parallel_loop3A_148, %parallel_loop3A_149] {strides = array<i32>} : memref<2x16x640xi32, #tpu.memory_space<vmem>>, vector<16xi32>,
      %parallel_loop3A_151 = arith.addi %parallel_loop3A_137, %parallel_loop3A_150 : vector<16xi32>
      %parallel_loop3A_152 = arith.constant 0 : i32
      %parallel_loop3A_153 = arith.constant 2 : i32
      %parallel_loop3A_154 = arith.index_cast %parallel_loop3A_152 : i32 to index
      %parallel_loop3A_155 = arith.index_cast %parallel_loop3A_153 : i32 to index
      %parallel_loop3A_156 = arith.index_cast %parallel_loop3A_125 : i32 to index
      %parallel_loop3A_157 = tpu.vector_load %arg5[%parallel_loop3A_154, %parallel_loop3A_155, %parallel_loop3A_156] {strides = array<i32>} : memref<2x16x640xi32, #tpu.memory_space<vmem>>, vector<16xi32>,
      %parallel_loop3A_158 = arith.addi %parallel_loop3A_144, %parallel_loop3A_157 : vector<16xi32>
      %parallel_loop3A_159 = arith.constant 1 : i32
      %parallel_loop3A_160 = arith.constant 2 : i32
      %parallel_loop3A_161 = arith.index_cast %parallel_loop3A_159 : i32 to index
      %parallel_loop3A_162 = arith.index_cast %parallel_loop3A_160 : i32 to index
      %parallel_loop3A_163 = arith.index_cast %parallel_loop3A_125 : i32 to index
      %parallel_loop3A_164 = tpu.vector_load %arg5[%parallel_loop3A_161, %parallel_loop3A_162, %parallel_loop3A_163] {strides = array<i32>} : memref<2x16x640xi32, #tpu.memory_space<vmem>>, vector<16xi32>,
      %parallel_loop3A_165 = arith.addi %parallel_loop3A_151, %parallel_loop3A_164 : vector<16xi32>
      %parallel_loop3A_166 = arith.constant 0 : i32
      %parallel_loop3A_167 = arith.constant 3 : i32
      %parallel_loop3A_168 = arith.index_cast %parallel_loop3A_166 : i32 to index
      %parallel_loop3A_169 = arith.index_cast %parallel_loop3A_167 : i32 to index
      %parallel_loop3A_170 = arith.index_cast %parallel_loop3A_125 : i32 to index
      %parallel_loop3A_171 = tpu.vector_load %arg5[%parallel_loop3A_168, %parallel_loop3A_169, %parallel_loop3A_170] {strides = array<i32>} : memref<2x16x640xi32, #tpu.memory_space<vmem>>, vector<16xi32>,
      %parallel_loop3A_172 = arith.addi %parallel_loop3A_158, %parallel_loop3A_171 : vector<16xi32>
      %parallel_loop3A_173 = arith.constant 1 : i32
      %parallel_loop3A_174 = arith.constant 3 : i32
      %parallel_loop3A_175 = arith.index_cast %parallel_loop3A_173 : i32 to index
      %parallel_loop3A_176 = arith.index_cast %parallel_loop3A_174 : i32 to index
      %parallel_loop3A_177 = arith.index_cast %parallel_loop3A_125 : i32 to index
      %parallel_loop3A_178 = tpu.vector_load %arg5[%parallel_loop3A_175, %parallel_loop3A_176, %parallel_loop3A_177] {strides = array<i32>} : memref<2x16x640xi32, #tpu.memory_space<vmem>>, vector<16xi32>,
      %parallel_loop3A_179 = arith.addi %parallel_loop3A_165, %parallel_loop3A_178 : vector<16xi32>
      %parallel_loop3A_180 = arith.constant 0 : i32
      %parallel_loop3A_181 = arith.constant 4 : i32
      %parallel_loop3A_182 = arith.index_cast %parallel_loop3A_180 : i32 to index
      %parallel_loop3A_183 = arith.index_cast %parallel_loop3A_181 : i32 to index
      %parallel_loop3A_184 = arith.index_cast %parallel_loop3A_125 : i32 to index
      %parallel_loop3A_185 = tpu.vector_load %arg5[%parallel_loop3A_182, %parallel_loop3A_183, %parallel_loop3A_184] {strides = array<i32>} : memref<2x16x640xi32, #tpu.memory_space<vmem>>, vector<16xi32>,
      %parallel_loop3A_186 = arith.addi %parallel_loop3A_172, %parallel_loop3A_185 : vector<16xi32>
      %parallel_loop3A_187 = arith.constant 1 : i32
      %parallel_loop3A_188 = arith.constant 4 : i32
      %parallel_loop3A_189 = arith.index_cast %parallel_loop3A_187 : i32 to index
      %parallel_loop3A_190 = arith.index_cast %parallel_loop3A_188 : i32 to index
      %parallel_loop3A_191 = arith.index_cast %parallel_loop3A_125 : i32 to index
      %parallel_loop3A_192 = tpu.vector_load %arg5[%parallel_loop3A_189, %parallel_loop3A_190, %parallel_loop3A_191] {strides = array<i32>} : memref<2x16x640xi32, #tpu.memory_space<vmem>>, vector<16xi32>,
      %parallel_loop3A_193 = arith.addi %parallel_loop3A_179, %parallel_loop3A_192 : vector<16xi32>
      %parallel_loop3A_194 = arith.constant 0 : i32
      %parallel_loop3A_195 = arith.constant 5 : i32
      %parallel_loop3A_196 = arith.index_cast %parallel_loop3A_194 : i32 to index
      %parallel_loop3A_197 = arith.index_cast %parallel_loop3A_195 : i32 to index
      %parallel_loop3A_198 = arith.index_cast %parallel_loop3A_125 : i32 to index
      %parallel_loop3A_199 = tpu.vector_load %arg5[%parallel_loop3A_196, %parallel_loop3A_197, %parallel_loop3A_198] {strides = array<i32>} : memref<2x16x640xi32, #tpu.memory_space<vmem>>, vector<16xi32>,
      %parallel_loop3A_200 = arith.addi %parallel_loop3A_186, %parallel_loop3A_199 : vector<16xi32>
      %parallel_loop3A_201 = arith.constant 1 : i32
      %parallel_loop3A_202 = arith.constant 5 : i32
      %parallel_loop3A_203 = arith.index_cast %parallel_loop3A_201 : i32 to index
      %parallel_loop3A_204 = arith.index_cast %parallel_loop3A_202 : i32 to index
      %parallel_loop3A_205 = arith.index_cast %parallel_loop3A_125 : i32 to index
      %parallel_loop3A_206 = tpu.vector_load %arg5[%parallel_loop3A_203, %parallel_loop3A_204, %parallel_loop3A_205] {strides = array<i32>} : memref<2x16x640xi32, #tpu.memory_space<vmem>>, vector<16xi32>,
      %parallel_loop3A_207 = arith.addi %parallel_loop3A_193, %parallel_loop3A_206 : vector<16xi32>
      %parallel_loop3A_208 = arith.constant 0 : i32
      %parallel_loop3A_209 = arith.constant 6 : i32
      %parallel_loop3A_210 = arith.index_cast %parallel_loop3A_208 : i32 to index
      %parallel_loop3A_211 = arith.index_cast %parallel_loop3A_209 : i32 to index
      %parallel_loop3A_212 = arith.index_cast %parallel_loop3A_125 : i32 to index
      %parallel_loop3A_213 = tpu.vector_load %arg5[%parallel_loop3A_210, %parallel_loop3A_211, %parallel_loop3A_212] {strides = array<i32>} : memref<2x16x640xi32, #tpu.memory_space<vmem>>, vector<16xi32>,
      %parallel_loop3A_214 = arith.addi %parallel_loop3A_200, %parallel_loop3A_213 : vector<16xi32>
      %parallel_loop3A_215 = arith.constant 1 : i32
      %parallel_loop3A_216 = arith.constant 6 : i32
      %parallel_loop3A_217 = arith.index_cast %parallel_loop3A_215 : i32 to index
      %parallel_loop3A_218 = arith.index_cast %parallel_loop3A_216 : i32 to index
      %parallel_loop3A_219 = arith.index_cast %parallel_loop3A_125 : i32 to index
      %parallel_loop3A_220 = tpu.vector_load %arg5[%parallel_loop3A_217, %parallel_loop3A_218, %parallel_loop3A_219] {strides = array<i32>} : memref<2x16x640xi32, #tpu.memory_space<vmem>>, vector<16xi32>,
      %parallel_loop3A_221 = arith.addi %parallel_loop3A_207, %parallel_loop3A_220 : vector<16xi32>
      %parallel_loop3A_222 = arith.constant 0 : i32
      %parallel_loop3A_223 = arith.constant 7 : i32
      %parallel_loop3A_224 = arith.index_cast %parallel_loop3A_222 : i32 to index
      %parallel_loop3A_225 = arith.index_cast %parallel_loop3A_223 : i32 to index
      %parallel_loop3A_226 = arith.index_cast %parallel_loop3A_125 : i32 to index
      %parallel_loop3A_227 = tpu.vector_load %arg5[%parallel_loop3A_224, %parallel_loop3A_225, %parallel_loop3A_226] {strides = array<i32>} : memref<2x16x640xi32, #tpu.memory_space<vmem>>, vector<16xi32>,
      %parallel_loop3A_228 = arith.addi %parallel_loop3A_214, %parallel_loop3A_227 : vector<16xi32>
      %parallel_loop3A_229 = arith.constant 1 : i32
      %parallel_loop3A_230 = arith.constant 7 : i32
      %parallel_loop3A_231 = arith.index_cast %parallel_loop3A_229 : i32 to index
      %parallel_loop3A_232 = arith.index_cast %parallel_loop3A_230 : i32 to index
      %parallel_loop3A_233 = arith.index_cast %parallel_loop3A_125 : i32 to index
      %parallel_loop3A_234 = tpu.vector_load %arg5[%parallel_loop3A_231, %parallel_loop3A_232, %parallel_loop3A_233] {strides = array<i32>} : memref<2x16x640xi32, #tpu.memory_space<vmem>>, vector<16xi32>,
      %parallel_loop3A_235 = arith.addi %parallel_loop3A_221, %parallel_loop3A_234 : vector<16xi32>
      %parallel_loop3A_236 = arith.constant 0 : i32
      %parallel_loop3A_237 = arith.constant 8 : i32
      %parallel_loop3A_238 = arith.index_cast %parallel_loop3A_236 : i32 to index
      %parallel_loop3A_239 = arith.index_cast %parallel_loop3A_237 : i32 to index
      %parallel_loop3A_240 = arith.index_cast %parallel_loop3A_125 : i32 to index
      %parallel_loop3A_241 = tpu.vector_load %arg5[%parallel_loop3A_238, %parallel_loop3A_239, %parallel_loop3A_240] {strides = array<i32>} : memref<2x16x640xi32, #tpu.memory_space<vmem>>, vector<16xi32>,
      %parallel_loop3A_242 = arith.addi %parallel_loop3A_228, %parallel_loop3A_241 : vector<16xi32>
      %parallel_loop3A_243 = arith.constant 1 : i32
      %parallel_loop3A_244 = arith.constant 8 : i32
      %parallel_loop3A_245 = arith.index_cast %parallel_loop3A_243 : i32 to index
      %parallel_loop3A_246 = arith.index_cast %parallel_loop3A_244 : i32 to index
      %parallel_loop3A_247 = arith.index_cast %parallel_loop3A_125 : i32 to index
      %parallel_loop3A_248 = tpu.vector_load %arg5[%parallel_loop3A_245, %parallel_loop3A_246, %parallel_loop3A_247] {strides = array<i32>} : memref<2x16x640xi32, #tpu.memory_space<vmem>>, vector<16xi32>,
      %parallel_loop3A_249 = arith.addi %parallel_loop3A_235, %parallel_loop3A_248 : vector<16xi32>
      %parallel_loop3A_250 = arith.constant 0 : i32
      %parallel_loop3A_251 = arith.constant 9 : i32
      %parallel_loop3A_252 = arith.index_cast %parallel_loop3A_250 : i32 to index
      %parallel_loop3A_253 = arith.index_cast %parallel_loop3A_251 : i32 to index
      %parallel_loop3A_254 = arith.index_cast %parallel_loop3A_125 : i32 to index
      %parallel_loop3A_255 = tpu.vector_load %arg5[%parallel_loop3A_252, %parallel_loop3A_253, %parallel_loop3A_254] {strides = array<i32>} : memref<2x16x640xi32, #tpu.memory_space<vmem>>, vector<16xi32>,
      %parallel_loop3A_256 = arith.addi %parallel_loop3A_242, %parallel_loop3A_255 : vector<16xi32>
      %parallel_loop3A_257 = arith.constant 1 : i32
      %parallel_loop3A_258 = arith.constant 9 : i32
      %parallel_loop3A_259 = arith.index_cast %parallel_loop3A_257 : i32 to index
      %parallel_loop3A_260 = arith.index_cast %parallel_loop3A_258 : i32 to index
      %parallel_loop3A_261 = arith.index_cast %parallel_loop3A_125 : i32 to index
      %parallel_loop3A_262 = tpu.vector_load %arg5[%parallel_loop3A_259, %parallel_loop3A_260, %parallel_loop3A_261] {strides = array<i32>} : memref<2x16x640xi32, #tpu.memory_space<vmem>>, vector<16xi32>,
      %parallel_loop3A_263 = arith.addi %parallel_loop3A_249, %parallel_loop3A_262 : vector<16xi32>
      %parallel_loop3A_264 = arith.constant 0 : i32
      %parallel_loop3A_265 = arith.constant 10 : i32
      %parallel_loop3A_266 = arith.index_cast %parallel_loop3A_264 : i32 to index
      %parallel_loop3A_267 = arith.index_cast %parallel_loop3A_265 : i32 to index
      %parallel_loop3A_268 = arith.index_cast %parallel_loop3A_125 : i32 to index
      %parallel_loop3A_269 = tpu.vector_load %arg5[%parallel_loop3A_266, %parallel_loop3A_267, %parallel_loop3A_268] {strides = array<i32>} : memref<2x16x640xi32, #tpu.memory_space<vmem>>, vector<16xi32>,
      %parallel_loop3A_270 = arith.addi %parallel_loop3A_256, %parallel_loop3A_269 : vector<16xi32>
      %parallel_loop3A_271 = arith.constant 1 : i32
      %parallel_loop3A_272 = arith.constant 10 : i32
      %parallel_loop3A_273 = arith.index_cast %parallel_loop3A_271 : i32 to index
      %parallel_loop3A_274 = arith.index_cast %parallel_loop3A_272 : i32 to index
      %parallel_loop3A_275 = arith.index_cast %parallel_loop3A_125 : i32 to index
      %parallel_loop3A_276 = tpu.vector_load %arg5[%parallel_loop3A_273, %parallel_loop3A_274, %parallel_loop3A_275] {strides = array<i32>} : memref<2x16x640xi32, #tpu.memory_space<vmem>>, vector<16xi32>,
      %parallel_loop3A_277 = arith.addi %parallel_loop3A_263, %parallel_loop3A_276 : vector<16xi32>
      %parallel_loop3A_278 = arith.constant 0 : i32
      %parallel_loop3A_279 = arith.constant 11 : i32
      %parallel_loop3A_280 = arith.index_cast %parallel_loop3A_278 : i32 to index
      %parallel_loop3A_281 = arith.index_cast %parallel_loop3A_279 : i32 to index
      %parallel_loop3A_282 = arith.index_cast %parallel_loop3A_125 : i32 to index
      %parallel_loop3A_283 = tpu.vector_load %arg5[%parallel_loop3A_280, %parallel_loop3A_281, %parallel_loop3A_282] {strides = array<i32>} : memref<2x16x640xi32, #tpu.memory_space<vmem>>, vector<16xi32>,
      %parallel_loop3A_284 = arith.addi %parallel_loop3A_270, %parallel_loop3A_283 : vector<16xi32>
      %parallel_loop3A_285 = arith.constant 1 : i32
      %parallel_loop3A_286 = arith.constant 11 : i32
      %parallel_loop3A_287 = arith.index_cast %parallel_loop3A_285 : i32 to index
      %parallel_loop3A_288 = arith.index_cast %parallel_loop3A_286 : i32 to index
      %parallel_loop3A_289 = arith.index_cast %parallel_loop3A_125 : i32 to index
      %parallel_loop3A_290 = tpu.vector_load %arg5[%parallel_loop3A_287, %parallel_loop3A_288, %parallel_loop3A_289] {strides = array<i32>} : memref<2x16x640xi32, #tpu.memory_space<vmem>>, vector<16xi32>,
      %parallel_loop3A_291 = arith.addi %parallel_loop3A_277, %parallel_loop3A_290 : vector<16xi32>
      %parallel_loop3A_292 = arith.constant 0 : i32
      %parallel_loop3A_293 = arith.constant 12 : i32
      %parallel_loop3A_294 = arith.index_cast %parallel_loop3A_292 : i32 to index
      %parallel_loop3A_295 = arith.index_cast %parallel_loop3A_293 : i32 to index
      %parallel_loop3A_296 = arith.index_cast %parallel_loop3A_125 : i32 to index
      %parallel_loop3A_297 = tpu.vector_load %arg5[%parallel_loop3A_294, %parallel_loop3A_295, %parallel_loop3A_296] {strides = array<i32>} : memref<2x16x640xi32, #tpu.memory_space<vmem>>, vector<16xi32>,
      %parallel_loop3A_298 = arith.addi %parallel_loop3A_284, %parallel_loop3A_297 : vector<16xi32>
      %parallel_loop3A_299 = arith.constant 1 : i32
      %parallel_loop3A_300 = arith.constant 12 : i32
      %parallel_loop3A_301 = arith.index_cast %parallel_loop3A_299 : i32 to index
      %parallel_loop3A_302 = arith.index_cast %parallel_loop3A_300 : i32 to index
      %parallel_loop3A_303 = arith.index_cast %parallel_loop3A_125 : i32 to index
      %parallel_loop3A_304 = tpu.vector_load %arg5[%parallel_loop3A_301, %parallel_loop3A_302, %parallel_loop3A_303] {strides = array<i32>} : memref<2x16x640xi32, #tpu.memory_space<vmem>>, vector<16xi32>,
      %parallel_loop3A_305 = arith.addi %parallel_loop3A_291, %parallel_loop3A_304 : vector<16xi32>
      %parallel_loop3A_306 = arith.constant 0 : i32
      %parallel_loop3A_307 = arith.constant 13 : i32
      %parallel_loop3A_308 = arith.index_cast %parallel_loop3A_306 : i32 to index
      %parallel_loop3A_309 = arith.index_cast %parallel_loop3A_307 : i32 to index
      %parallel_loop3A_310 = arith.index_cast %parallel_loop3A_125 : i32 to index
      %parallel_loop3A_311 = tpu.vector_load %arg5[%parallel_loop3A_308, %parallel_loop3A_309, %parallel_loop3A_310] {strides = array<i32>} : memref<2x16x640xi32, #tpu.memory_space<vmem>>, vector<16xi32>,
      %parallel_loop3A_312 = arith.addi %parallel_loop3A_298, %parallel_loop3A_311 : vector<16xi32>
      %parallel_loop3A_313 = arith.constant 1 : i32
      %parallel_loop3A_314 = arith.constant 13 : i32
      %parallel_loop3A_315 = arith.index_cast %parallel_loop3A_313 : i32 to index
      %parallel_loop3A_316 = arith.index_cast %parallel_loop3A_314 : i32 to index
      %parallel_loop3A_317 = arith.index_cast %parallel_loop3A_125 : i32 to index
      %parallel_loop3A_318 = tpu.vector_load %arg5[%parallel_loop3A_315, %parallel_loop3A_316, %parallel_loop3A_317] {strides = array<i32>} : memref<2x16x640xi32, #tpu.memory_space<vmem>>, vector<16xi32>,
      %parallel_loop3A_319 = arith.addi %parallel_loop3A_305, %parallel_loop3A_318 : vector<16xi32>
      %parallel_loop3A_320 = arith.constant 0 : i32
      %parallel_loop3A_321 = arith.constant 14 : i32
      %parallel_loop3A_322 = arith.index_cast %parallel_loop3A_320 : i32 to index
      %parallel_loop3A_323 = arith.index_cast %parallel_loop3A_321 : i32 to index
      %parallel_loop3A_324 = arith.index_cast %parallel_loop3A_125 : i32 to index
      %parallel_loop3A_325 = tpu.vector_load %arg5[%parallel_loop3A_322, %parallel_loop3A_323, %parallel_loop3A_324] {strides = array<i32>} : memref<2x16x640xi32, #tpu.memory_space<vmem>>, vector<16xi32>,
      %parallel_loop3A_326 = arith.addi %parallel_loop3A_312, %parallel_loop3A_325 : vector<16xi32>
      %parallel_loop3A_327 = arith.constant 1 : i32
      %parallel_loop3A_328 = arith.constant 14 : i32
      %parallel_loop3A_329 = arith.index_cast %parallel_loop3A_327 : i32 to index
      %parallel_loop3A_330 = arith.index_cast %parallel_loop3A_328 : i32 to index
      %parallel_loop3A_331 = arith.index_cast %parallel_loop3A_125 : i32 to index
      %parallel_loop3A_332 = tpu.vector_load %arg5[%parallel_loop3A_329, %parallel_loop3A_330, %parallel_loop3A_331] {strides = array<i32>} : memref<2x16x640xi32, #tpu.memory_space<vmem>>, vector<16xi32>,
      %parallel_loop3A_333 = arith.addi %parallel_loop3A_319, %parallel_loop3A_332 : vector<16xi32>
      %parallel_loop3A_334 = arith.constant 0 : i32
      %parallel_loop3A_335 = arith.constant 15 : i32
      %parallel_loop3A_336 = arith.index_cast %parallel_loop3A_334 : i32 to index
      %parallel_loop3A_337 = arith.index_cast %parallel_loop3A_335 : i32 to index
      %parallel_loop3A_338 = arith.index_cast %parallel_loop3A_125 : i32 to index
      %parallel_loop3A_339 = tpu.vector_load %arg5[%parallel_loop3A_336, %parallel_loop3A_337, %parallel_loop3A_338] {strides = array<i32>} : memref<2x16x640xi32, #tpu.memory_space<vmem>>, vector<16xi32>,
      %parallel_loop3A_340 = arith.addi %parallel_loop3A_326, %parallel_loop3A_339 : vector<16xi32>
      %parallel_loop3A_341 = arith.constant 1 : i32
      %parallel_loop3A_342 = arith.constant 15 : i32
      %parallel_loop3A_343 = arith.index_cast %parallel_loop3A_341 : i32 to index
      %parallel_loop3A_344 = arith.index_cast %parallel_loop3A_342 : i32 to index
      %parallel_loop3A_345 = arith.index_cast %parallel_loop3A_125 : i32 to index
      %parallel_loop3A_346 = tpu.vector_load %arg5[%parallel_loop3A_343, %parallel_loop3A_344, %parallel_loop3A_345] {strides = array<i32>} : memref<2x16x640xi32, #tpu.memory_space<vmem>>, vector<16xi32>,
      %parallel_loop3A_347 = arith.addi %parallel_loop3A_333, %parallel_loop3A_346 : vector<16xi32>
      %parallel_loop3A_348 = arith.index_cast %parallel_loop3A_125 : i32 to index
      %parallel_loop3A_349 = tpu.vector_load %arg8[%parallel_loop3A_348] {strides = array<i32>} : memref<640xi32, #tpu.memory_space<vmem>>, vector<16xi32>,
      tpu.vector_store %arg8[%parallel_loop3A_348], %parallel_loop3A_340 {strides = array<i32>} : memref<640xi32, #tpu.memory_space<vmem>>, vector<16xi32>,
      %parallel_loop3A_350 = arith.index_cast %parallel_loop3A_125 : i32 to index
      %parallel_loop3A_351 = tpu.vector_load %arg9[%parallel_loop3A_350] {strides = array<i32>} : memref<640xi32, #tpu.memory_space<vmem>>, vector<16xi32>,
      tpu.vector_store %arg9[%parallel_loop3A_350], %parallel_loop3A_347 {strides = array<i32>} : memref<640xi32, #tpu.memory_space<vmem>>, vector<16xi32>,
    } {sc.loop_unroll_factor = 2 : i64, sc.parallel_access}
    %mul3A_101 = arith.constant 640 : i32
    %mul3A_102 = arith.muli %arg1, %mul3A_101 : i32
    %add3A_103 = arith.constant 2 : i32
    %add3A_104 = arith.addi %add3A_103, %arg0 : i32
    %mul3A_105 = arith.constant 640 : i32
    %mul3A_106 = arith.muli %arg1, %mul3A_105 : i32
    %dma_start3A_107 = tpu.memref_slice %arg3[%arg0, %mul3A_102] : memref<4x10240xi32, #tpu.memory_space<hbm>> -> memref<1x640xi32, #tpu.memory_space<hbm>>
    %dma_start3A_108 = tpu.memref_squeeze %dma_start3A_107 : memref<1x640xi32, #tpu.memory_space<hbm>> -> memref<640xi32, #tpu.memory_space<hbm>>
    %dma_start3A_109 = tpu.memref_slice %arg3[%arg0, %mul3A_102] : memref<4x10240xi32, #tpu.memory_space<hbm>> -> memref<1x640xi32, #tpu.memory_space<hbm>>
    %dma_start3A_110 = tpu.memref_squeeze %dma_start3A_109 : memref<1x640xi32, #tpu.memory_space<hbm>> -> memref<640xi32, #tpu.memory_space<hbm>>
    tpu.enqueue_dma source(%arg8 : memref<640xi32, #tpu.memory_space<vmem>>) target(%dma_start3A_110 : memref<640xi32, #tpu.memory_space<hbm>>) target_semaphore(%arg12 : memref<!tpu.dma_semaphore, #tpu.memory_space<semaphore_mem>>)
    %dma_start3A_111 = tpu.memref_slice %arg3[%add3A_104, %mul3A_106] : memref<4x10240xi32, #tpu.memory_space<hbm>> -> memref<1x640xi32, #tpu.memory_space<hbm>>
    %dma_start3A_112 = tpu.memref_squeeze %dma_start3A_111 : memref<1x640xi32, #tpu.memory_space<hbm>> -> memref<640xi32, #tpu.memory_space<hbm>>
    %dma_start3A_113 = tpu.memref_slice %arg3[%add3A_104, %mul3A_106] : memref<4x10240xi32, #tpu.memory_space<hbm>> -> memref<1x640xi32, #tpu.memory_space<hbm>>
    %dma_start3A_114 = tpu.memref_squeeze %dma_start3A_113 : memref<1x640xi32, #tpu.memory_space<hbm>> -> memref<640xi32, #tpu.memory_space<hbm>>
    tpu.enqueue_dma source(%arg9 : memref<640xi32, #tpu.memory_space<vmem>>) target(%dma_start3A_114 : memref<640xi32, #tpu.memory_space<hbm>>) target_semaphore(%arg12 : memref<!tpu.dma_semaphore, #tpu.memory_space<semaphore_mem>>)
    %dma_wait3A_115 = tpu.memref_slice %arg3[%arg0, %mul3A_102] : memref<4x10240xi32, #tpu.memory_space<hbm>> -> memref<1x640xi32, #tpu.memory_space<hbm>>
    %dma_wait3A_116 = tpu.memref_squeeze %dma_wait3A_115 : memref<1x640xi32, #tpu.memory_space<hbm>> -> memref<640xi32, #tpu.memory_space<hbm>>
    %dma_wait3A_117 = tpu.memref_slice %arg3[%arg0, %mul3A_102] : memref<4x10240xi32, #tpu.memory_space<hbm>> -> memref<1x640xi32, #tpu.memory_space<hbm>>
    %dma_wait3A_118 = tpu.memref_squeeze %dma_wait3A_117 : memref<1x640xi32, #tpu.memory_space<hbm>> -> memref<640xi32, #tpu.memory_space<hbm>>
    tpu.wait_dma2 semaphore(%arg12 : memref<!tpu.dma_semaphore, #tpu.memory_space<semaphore_mem>>) src(%arg8 : memref<640xi32, #tpu.memory_space<vmem>>) dst(%dma_wait3A_118 : memref<640xi32, #tpu.memory_space<hbm>>)
    %dma_wait3A_119 = tpu.memref_slice %arg3[%add3A_104, %mul3A_106] : memref<4x10240xi32, #tpu.memory_space<hbm>> -> memref<1x640xi32, #tpu.memory_space<hbm>>
    %dma_wait3A_120 = tpu.memref_squeeze %dma_wait3A_119 : memref<1x640xi32, #tpu.memory_space<hbm>> -> memref<640xi32, #tpu.memory_space<hbm>>
    %dma_wait3A_121 = tpu.memref_slice %arg3[%add3A_104, %mul3A_106] : memref<4x10240xi32, #tpu.memory_space<hbm>> -> memref<1x640xi32, #tpu.memory_space<hbm>>
    %dma_wait3A_122 = tpu.memref_squeeze %dma_wait3A_121 : memref<1x640xi32, #tpu.memory_space<hbm>> -> memref<640xi32, #tpu.memory_space<hbm>>
    tpu.wait_dma2 semaphore(%arg12 : memref<!tpu.dma_semaphore, #tpu.memory_space<semaphore_mem>>) src(%arg9 : memref<640xi32, #tpu.memory_space<vmem>>) dst(%dma_wait3A_122 : memref<640xi32, #tpu.memory_space<hbm>>)
    return
  }
}

module attributes {stable_mosaic.version = 14 : i64} {
  func.func @_enc_body(%arg0: i32, %arg1: memref<4x5120xi32, #tpu.memory_space<vmem>>, %arg2: memref<5120x128xf32, #tpu.memory_space<vmem>>, %arg3: memref<512x128xf32, #tpu.memory_space<vmem>>, %arg4: memref<512x128xf32, #tpu.memory_space<vmem>>, %arg5: memref<5120x128xf32, #tpu.memory_space<vmem>>) attributes {dimension_semantics = [#tpu.dimension_semantics<arbitrary>], iteration_bounds = array<i64: 2>, scalar_prefetch = 0 : i64, scratch_operands = 0 : i64, tpu.core_type = #tpu.core_type<tc>, window_params = [{transform_indices = @transform_0, window_bounds = array<i64: 4, 5120>}, {transform_indices = @transform_1, window_bounds = array<i64: 5120, 128>}, {pipeline_mode = #tpu.pipeline_mode<synchronous>, transform_indices = @transform_2, window_bounds = array<i64: 512, 128>}, {pipeline_mode = #tpu.pipeline_mode<synchronous>, transform_indices = @transform_3, window_bounds = array<i64: 512, 128>}, {transform_indices = @transform_4, window_bounds = array<i64: 5120, 128>}]} {
    %get3A = arith.constant 0 : index
    %get3A_0 = arith.constant 0 : index
    %get3A_1 = vector.load %arg1[%get3A, %get3A_0] : memref<4x5120xi32, #tpu.memory_space<vmem>>, vector<4x5120xi32>
    %slice3A = vector.extract_strided_slice %get3A_1 {offsets = [0, 0], sizes = [1, 5120], strides = [1, 1]} : vector<4x5120xi32> to vector<1x5120xi32>
    %squeeze3A = vector.shape_cast %slice3A : vector<1x5120xi32> to vector<5120xi32>
    %slice3A_2 = vector.extract_strided_slice %get3A_1 {offsets = [1, 0], sizes = [1, 5120], strides = [1, 1]} : vector<4x5120xi32> to vector<1x5120xi32>
    %squeeze3A_3 = vector.shape_cast %slice3A_2 : vector<1x5120xi32> to vector<5120xi32>
    %add3A = arith.addi %squeeze3A, %squeeze3A_3 : vector<5120xi32>
    %min3A = arith.constant 511 : i32
    %min3A_4 = vector.broadcast %min3A : i32 to vector<5120xi32>
    %min3A_5 = arith.minsi %add3A, %min3A_4 : vector<5120xi32>
    %slice3A_6 = vector.extract_strided_slice %get3A_1 {offsets = [2, 0], sizes = [1, 5120], strides = [1, 1]} : vector<4x5120xi32> to vector<1x5120xi32>
    %squeeze3A_7 = vector.shape_cast %slice3A_6 : vector<1x5120xi32> to vector<5120xi32>
    %slice3A_8 = vector.extract_strided_slice %get3A_1 {offsets = [3, 0], sizes = [1, 5120], strides = [1, 1]} : vector<4x5120xi32> to vector<1x5120xi32>
    %squeeze3A_9 = vector.shape_cast %slice3A_8 : vector<1x5120xi32> to vector<5120xi32>
    %add3A_10 = arith.addi %squeeze3A_7, %squeeze3A_9 : vector<5120xi32>
    %min3A_11 = arith.constant 511 : i32
    %min3A_12 = vector.broadcast %min3A_11 : i32 to vector<5120xi32>
    %min3A_13 = arith.minsi %add3A_10, %min3A_12 : vector<5120xi32>
    %reduce_max3A = vector.shape_cast %min3A_5 : vector<5120xi32> to vector<1x5120xi32>
    %reduce_max3A_14 = arith.constant dense<-2147483648> : vector<1xi32>
    %reduce_max3A_15 = vector.multi_reduction <maxsi>, %reduce_max3A, %reduce_max3A_14 [1] : vector<1x5120xi32> to vector<1xi32>
    %reduce_max3A_16 = vector.shape_cast %reduce_max3A_15 : vector<1xi32> to vector<1x1xi32>
    %reduce_max3A_17 = vector.extract %reduce_max3A_16[0, 0] : i32 from vector<1x1xi32>
    %reduce_max3A_18 = vector.shape_cast %min3A_13 : vector<5120xi32> to vector<1x5120xi32>
    %reduce_max3A_19 = arith.constant dense<-2147483648> : vector<1xi32>
    %reduce_max3A_20 = vector.multi_reduction <maxsi>, %reduce_max3A_18, %reduce_max3A_19 [1] : vector<1x5120xi32> to vector<1xi32>
    %reduce_max3A_21 = vector.shape_cast %reduce_max3A_20 : vector<1xi32> to vector<1x1xi32>
    %reduce_max3A_22 = vector.extract %reduce_max3A_21[0, 0] : i32 from vector<1x1xi32>
    %iota3A = tpu.iota {dimensions = array<i32: 1>} : vector<5120x64xi32>
    %get3A_23 = arith.constant 0 : index
    %get3A_24 = arith.constant 0 : index
    %get3A_25 = vector.load %arg2[%get3A_23, %get3A_24] : memref<5120x128xf32, #tpu.memory_space<vmem>>, vector<5120x128xf32>
    %swap3A = arith.constant 0 : index
    %swap3A_26 = arith.constant 0 : index
    %swap3A_27 = vector.load %arg5[%swap3A, %swap3A_26] : memref<5120x128xf32, #tpu.memory_space<vmem>>, vector<5120x128xf32>
    tpu.vector_store %arg5[%swap3A, %swap3A_26], %get3A_25 {strides = array<i32>} : memref<5120x128xf32, #tpu.memory_space<vmem>>, vector<5120x128xf32>,
    %ge3A = arith.constant 0 : i32
    %ge3A_28 = arith.cmpi sge, %reduce_max3A_17, %ge3A : i32
    %convert_element_type3A = arith.extui %ge3A_28 : i1 to i32
    %cond3A = arith.constant 0 : i32
    %cond3A_29 = arith.cmpi ne, %convert_element_type3A, %cond3A : i32
    scf.if %cond3A_29 {
      %broadcast_in_dim3A = vector.shape_cast %min3A_5 : vector<5120xi32> to vector<5120x1xi32>
      %add3A_105 = arith.constant 0 : i32
      %add3A_106 = vector.broadcast %add3A_105 : i32 to vector<5120x64xi32>
      %add3A_107 = arith.addi %iota3A, %add3A_106 : vector<5120x64xi32>
      %eq3A = vector.broadcast %broadcast_in_dim3A : vector<5120x1xi32> to vector<5120x64xi32>
      %eq3A_108 = arith.cmpi eq, %eq3A, %add3A_107 : vector<5120x64xi32>
      %convert_element_type3A_109 = arith.extui %eq3A_108 : vector<5120x64xi1> to vector<5120x64xi32>
      %convert_element_type3A_110 = arith.sitofp %convert_element_type3A_109 : vector<5120x64xi32> to vector<5120x64xf32>
      %convert_element_type3A_111 = arith.truncf %convert_element_type3A_110 : vector<5120x64xf32> to vector<5120x64xbf16>
      %get3A_112 = arith.constant 0 : index
      %get3A_113 = arith.constant 0 : index
      %get3A_114 = vector.load %arg3[%get3A_112, %get3A_113] : memref<512x128xf32, #tpu.memory_space<vmem>>, vector<64x128xf32>
      %convert_element_type3A_115 = arith.truncf %get3A_114 : vector<64x128xf32> to vector<64x128xbf16>
      %get3A_116 = arith.constant 0 : index
      %get3A_117 = arith.constant 0 : index
      %get3A_118 = vector.load %arg5[%get3A_116, %get3A_117] : memref<5120x128xf32, #tpu.memory_space<vmem>>, vector<5120x128xf32>
      %dot_general3A = arith.constant dense<0.000000e+00> : vector<5120x128xf32>
      %dot_general3A_119 = tpu.matmul %convert_element_type3A_111, %convert_element_type3A_115, %dot_general3A {dimension_numbers = #tpu.dot_dimension_numbers<[1], [0], [0], [1], [0, 0, 1, 1], [], []>, transpose_lhs_hint = false} : vector<5120x64xbf16>, vector<64x128xbf16>, vector<5120x128xf32> -> vector<5120x128xf32>
      %add3A_120 = arith.addf %get3A_118, %dot_general3A_119 : vector<5120x128xf32>
      %swap3A_121 = arith.constant 0 : index
      %swap3A_122 = arith.constant 0 : index
      %swap3A_123 = vector.load %arg5[%swap3A_121, %swap3A_122] : memref<5120x128xf32, #tpu.memory_space<vmem>>, vector<5120x128xf32>
      tpu.vector_store %arg5[%swap3A_121, %swap3A_122], %add3A_120 {strides = array<i32>} : memref<5120x128xf32, #tpu.memory_space<vmem>>, vector<5120x128xf32>,
    } else {
    }
    %ge3A_30 = arith.constant 0 : i32
    %ge3A_31 = arith.cmpi sge, %reduce_max3A_22, %ge3A_30 : i32
    %convert_element_type3A_32 = arith.extui %ge3A_31 : i1 to i32
    %cond3A_33 = arith.constant 0 : i32
    %cond3A_34 = arith.cmpi ne, %convert_element_type3A_32, %cond3A_33 : i32
    scf.if %cond3A_34 {
      %broadcast_in_dim3A = vector.shape_cast %min3A_13 : vector<5120xi32> to vector<5120x1xi32>
      %add3A_105 = arith.constant 0 : i32
      %add3A_106 = vector.broadcast %add3A_105 : i32 to vector<5120x64xi32>
      %add3A_107 = arith.addi %iota3A, %add3A_106 : vector<5120x64xi32>
      %eq3A = vector.broadcast %broadcast_in_dim3A : vector<5120x1xi32> to vector<5120x64xi32>
      %eq3A_108 = arith.cmpi eq, %eq3A, %add3A_107 : vector<5120x64xi32>
      %convert_element_type3A_109 = arith.extui %eq3A_108 : vector<5120x64xi1> to vector<5120x64xi32>
      %convert_element_type3A_110 = arith.sitofp %convert_element_type3A_109 : vector<5120x64xi32> to vector<5120x64xf32>
      %convert_element_type3A_111 = arith.truncf %convert_element_type3A_110 : vector<5120x64xf32> to vector<5120x64xbf16>
      %get3A_112 = arith.constant 0 : index
      %get3A_113 = arith.constant 0 : index
      %get3A_114 = vector.load %arg4[%get3A_112, %get3A_113] : memref<512x128xf32, #tpu.memory_space<vmem>>, vector<64x128xf32>
      %convert_element_type3A_115 = arith.truncf %get3A_114 : vector<64x128xf32> to vector<64x128xbf16>
      %get3A_116 = arith.constant 0 : index
      %get3A_117 = arith.constant 0 : index
      %get3A_118 = vector.load %arg5[%get3A_116, %get3A_117] : memref<5120x128xf32, #tpu.memory_space<vmem>>, vector<5120x128xf32>
      %dot_general3A = arith.constant dense<0.000000e+00> : vector<5120x128xf32>
      %dot_general3A_119 = tpu.matmul %convert_element_type3A_111, %convert_element_type3A_115, %dot_general3A {dimension_numbers = #tpu.dot_dimension_numbers<[1], [0], [0], [1], [0, 0, 1, 1], [], []>, transpose_lhs_hint = false} : vector<5120x64xbf16>, vector<64x128xbf16>, vector<5120x128xf32> -> vector<5120x128xf32>
      %add3A_120 = arith.addf %get3A_118, %dot_general3A_119 : vector<5120x128xf32>
      %swap3A_121 = arith.constant 0 : index
      %swap3A_122 = arith.constant 0 : index
      %swap3A_123 = vector.load %arg5[%swap3A_121, %swap3A_122] : memref<5120x128xf32, #tpu.memory_space<vmem>>, vector<5120x128xf32>
      tpu.vector_store %arg5[%swap3A_121, %swap3A_122], %add3A_120 {strides = array<i32>} : memref<5120x128xf32, #tpu.memory_space<vmem>>, vector<5120x128xf32>,
    } else {
    }
    %ge3A_35 = arith.constant 64 : i32
    %ge3A_36 = arith.cmpi sge, %reduce_max3A_17, %ge3A_35 : i32
    %convert_element_type3A_37 = arith.extui %ge3A_36 : i1 to i32
    %cond3A_38 = arith.constant 0 : i32
    %cond3A_39 = arith.cmpi ne, %convert_element_type3A_37, %cond3A_38 : i32
    scf.if %cond3A_39 {
      %broadcast_in_dim3A = vector.shape_cast %min3A_5 : vector<5120xi32> to vector<5120x1xi32>
      %add3A_105 = arith.constant 64 : i32
      %add3A_106 = vector.broadcast %add3A_105 : i32 to vector<5120x64xi32>
      %add3A_107 = arith.addi %iota3A, %add3A_106 : vector<5120x64xi32>
      %eq3A = vector.broadcast %broadcast_in_dim3A : vector<5120x1xi32> to vector<5120x64xi32>
      %eq3A_108 = arith.cmpi eq, %eq3A, %add3A_107 : vector<5120x64xi32>
      %convert_element_type3A_109 = arith.extui %eq3A_108 : vector<5120x64xi1> to vector<5120x64xi32>
      %convert_element_type3A_110 = arith.sitofp %convert_element_type3A_109 : vector<5120x64xi32> to vector<5120x64xf32>
      %convert_element_type3A_111 = arith.truncf %convert_element_type3A_110 : vector<5120x64xf32> to vector<5120x64xbf16>
      %get3A_112 = arith.constant 64 : index
      %get3A_113 = arith.constant 0 : index
      %get3A_114 = vector.load %arg3[%get3A_112, %get3A_113] : memref<512x128xf32, #tpu.memory_space<vmem>>, vector<64x128xf32>
      %convert_element_type3A_115 = arith.truncf %get3A_114 : vector<64x128xf32> to vector<64x128xbf16>
      %get3A_116 = arith.constant 0 : index
      %get3A_117 = arith.constant 0 : index
      %get3A_118 = vector.load %arg5[%get3A_116, %get3A_117] : memref<5120x128xf32, #tpu.memory_space<vmem>>, vector<5120x128xf32>
      %dot_general3A = arith.constant dense<0.000000e+00> : vector<5120x128xf32>
      %dot_general3A_119 = tpu.matmul %convert_element_type3A_111, %convert_element_type3A_115, %dot_general3A {dimension_numbers = #tpu.dot_dimension_numbers<[1], [0], [0], [1], [0, 0, 1, 1], [], []>, transpose_lhs_hint = false} : vector<5120x64xbf16>, vector<64x128xbf16>, vector<5120x128xf32> -> vector<5120x128xf32>
      %add3A_120 = arith.addf %get3A_118, %dot_general3A_119 : vector<5120x128xf32>
      %swap3A_121 = arith.constant 0 : index
      %swap3A_122 = arith.constant 0 : index
      %swap3A_123 = vector.load %arg5[%swap3A_121, %swap3A_122] : memref<5120x128xf32, #tpu.memory_space<vmem>>, vector<5120x128xf32>
      tpu.vector_store %arg5[%swap3A_121, %swap3A_122], %add3A_120 {strides = array<i32>} : memref<5120x128xf32, #tpu.memory_space<vmem>>, vector<5120x128xf32>,
    } else {
    }
    %ge3A_40 = arith.constant 64 : i32
    %ge3A_41 = arith.cmpi sge, %reduce_max3A_22, %ge3A_40 : i32
    %convert_element_type3A_42 = arith.extui %ge3A_41 : i1 to i32
    %cond3A_43 = arith.constant 0 : i32
    %cond3A_44 = arith.cmpi ne, %convert_element_type3A_42, %cond3A_43 : i32
    scf.if %cond3A_44 {
      %broadcast_in_dim3A = vector.shape_cast %min3A_13 : vector<5120xi32> to vector<5120x1xi32>
      %add3A_105 = arith.constant 64 : i32
      %add3A_106 = vector.broadcast %add3A_105 : i32 to vector<5120x64xi32>
      %add3A_107 = arith.addi %iota3A, %add3A_106 : vector<5120x64xi32>
      %eq3A = vector.broadcast %broadcast_in_dim3A : vector<5120x1xi32> to vector<5120x64xi32>
      %eq3A_108 = arith.cmpi eq, %eq3A, %add3A_107 : vector<5120x64xi32>
      %convert_element_type3A_109 = arith.extui %eq3A_108 : vector<5120x64xi1> to vector<5120x64xi32>
      %convert_element_type3A_110 = arith.sitofp %convert_element_type3A_109 : vector<5120x64xi32> to vector<5120x64xf32>
      %convert_element_type3A_111 = arith.truncf %convert_element_type3A_110 : vector<5120x64xf32> to vector<5120x64xbf16>
      %get3A_112 = arith.constant 64 : index
      %get3A_113 = arith.constant 0 : index
      %get3A_114 = vector.load %arg4[%get3A_112, %get3A_113] : memref<512x128xf32, #tpu.memory_space<vmem>>, vector<64x128xf32>
      %convert_element_type3A_115 = arith.truncf %get3A_114 : vector<64x128xf32> to vector<64x128xbf16>
      %get3A_116 = arith.constant 0 : index
      %get3A_117 = arith.constant 0 : index
      %get3A_118 = vector.load %arg5[%get3A_116, %get3A_117] : memref<5120x128xf32, #tpu.memory_space<vmem>>, vector<5120x128xf32>
      %dot_general3A = arith.constant dense<0.000000e+00> : vector<5120x128xf32>
      %dot_general3A_119 = tpu.matmul %convert_element_type3A_111, %convert_element_type3A_115, %dot_general3A {dimension_numbers = #tpu.dot_dimension_numbers<[1], [0], [0], [1], [0, 0, 1, 1], [], []>, transpose_lhs_hint = false} : vector<5120x64xbf16>, vector<64x128xbf16>, vector<5120x128xf32> -> vector<5120x128xf32>
      %add3A_120 = arith.addf %get3A_118, %dot_general3A_119 : vector<5120x128xf32>
      %swap3A_121 = arith.constant 0 : index
      %swap3A_122 = arith.constant 0 : index
      %swap3A_123 = vector.load %arg5[%swap3A_121, %swap3A_122] : memref<5120x128xf32, #tpu.memory_space<vmem>>, vector<5120x128xf32>
      tpu.vector_store %arg5[%swap3A_121, %swap3A_122], %add3A_120 {strides = array<i32>} : memref<5120x128xf32, #tpu.memory_space<vmem>>, vector<5120x128xf32>,
    } else {
    }
    %ge3A_45 = arith.constant 128 : i32
    %ge3A_46 = arith.cmpi sge, %reduce_max3A_17, %ge3A_45 : i32
    %convert_element_type3A_47 = arith.extui %ge3A_46 : i1 to i32
    %cond3A_48 = arith.constant 0 : i32
    %cond3A_49 = arith.cmpi ne, %convert_element_type3A_47, %cond3A_48 : i32
    scf.if %cond3A_49 {
      %broadcast_in_dim3A = vector.shape_cast %min3A_5 : vector<5120xi32> to vector<5120x1xi32>
      %add3A_105 = arith.constant 128 : i32
      %add3A_106 = vector.broadcast %add3A_105 : i32 to vector<5120x64xi32>
      %add3A_107 = arith.addi %iota3A, %add3A_106 : vector<5120x64xi32>
      %eq3A = vector.broadcast %broadcast_in_dim3A : vector<5120x1xi32> to vector<5120x64xi32>
      %eq3A_108 = arith.cmpi eq, %eq3A, %add3A_107 : vector<5120x64xi32>
      %convert_element_type3A_109 = arith.extui %eq3A_108 : vector<5120x64xi1> to vector<5120x64xi32>
      %convert_element_type3A_110 = arith.sitofp %convert_element_type3A_109 : vector<5120x64xi32> to vector<5120x64xf32>
      %convert_element_type3A_111 = arith.truncf %convert_element_type3A_110 : vector<5120x64xf32> to vector<5120x64xbf16>
      %get3A_112 = arith.constant 128 : index
      %get3A_113 = arith.constant 0 : index
      %get3A_114 = vector.load %arg3[%get3A_112, %get3A_113] : memref<512x128xf32, #tpu.memory_space<vmem>>, vector<64x128xf32>
      %convert_element_type3A_115 = arith.truncf %get3A_114 : vector<64x128xf32> to vector<64x128xbf16>
      %get3A_116 = arith.constant 0 : index
      %get3A_117 = arith.constant 0 : index
      %get3A_118 = vector.load %arg5[%get3A_116, %get3A_117] : memref<5120x128xf32, #tpu.memory_space<vmem>>, vector<5120x128xf32>
      %dot_general3A = arith.constant dense<0.000000e+00> : vector<5120x128xf32>
      %dot_general3A_119 = tpu.matmul %convert_element_type3A_111, %convert_element_type3A_115, %dot_general3A {dimension_numbers = #tpu.dot_dimension_numbers<[1], [0], [0], [1], [0, 0, 1, 1], [], []>, transpose_lhs_hint = false} : vector<5120x64xbf16>, vector<64x128xbf16>, vector<5120x128xf32> -> vector<5120x128xf32>
      %add3A_120 = arith.addf %get3A_118, %dot_general3A_119 : vector<5120x128xf32>
      %swap3A_121 = arith.constant 0 : index
      %swap3A_122 = arith.constant 0 : index
      %swap3A_123 = vector.load %arg5[%swap3A_121, %swap3A_122] : memref<5120x128xf32, #tpu.memory_space<vmem>>, vector<5120x128xf32>
      tpu.vector_store %arg5[%swap3A_121, %swap3A_122], %add3A_120 {strides = array<i32>} : memref<5120x128xf32, #tpu.memory_space<vmem>>, vector<5120x128xf32>,
    } else {
    }
    %ge3A_50 = arith.constant 128 : i32
    %ge3A_51 = arith.cmpi sge, %reduce_max3A_22, %ge3A_50 : i32
    %convert_element_type3A_52 = arith.extui %ge3A_51 : i1 to i32
    %cond3A_53 = arith.constant 0 : i32
    %cond3A_54 = arith.cmpi ne, %convert_element_type3A_52, %cond3A_53 : i32
    scf.if %cond3A_54 {
      %broadcast_in_dim3A = vector.shape_cast %min3A_13 : vector<5120xi32> to vector<5120x1xi32>
      %add3A_105 = arith.constant 128 : i32
      %add3A_106 = vector.broadcast %add3A_105 : i32 to vector<5120x64xi32>
      %add3A_107 = arith.addi %iota3A, %add3A_106 : vector<5120x64xi32>
      %eq3A = vector.broadcast %broadcast_in_dim3A : vector<5120x1xi32> to vector<5120x64xi32>
      %eq3A_108 = arith.cmpi eq, %eq3A, %add3A_107 : vector<5120x64xi32>
      %convert_element_type3A_109 = arith.extui %eq3A_108 : vector<5120x64xi1> to vector<5120x64xi32>
      %convert_element_type3A_110 = arith.sitofp %convert_element_type3A_109 : vector<5120x64xi32> to vector<5120x64xf32>
      %convert_element_type3A_111 = arith.truncf %convert_element_type3A_110 : vector<5120x64xf32> to vector<5120x64xbf16>
      %get3A_112 = arith.constant 128 : index
      %get3A_113 = arith.constant 0 : index
      %get3A_114 = vector.load %arg4[%get3A_112, %get3A_113] : memref<512x128xf32, #tpu.memory_space<vmem>>, vector<64x128xf32>
      %convert_element_type3A_115 = arith.truncf %get3A_114 : vector<64x128xf32> to vector<64x128xbf16>
      %get3A_116 = arith.constant 0 : index
      %get3A_117 = arith.constant 0 : index
      %get3A_118 = vector.load %arg5[%get3A_116, %get3A_117] : memref<5120x128xf32, #tpu.memory_space<vmem>>, vector<5120x128xf32>
      %dot_general3A = arith.constant dense<0.000000e+00> : vector<5120x128xf32>
      %dot_general3A_119 = tpu.matmul %convert_element_type3A_111, %convert_element_type3A_115, %dot_general3A {dimension_numbers = #tpu.dot_dimension_numbers<[1], [0], [0], [1], [0, 0, 1, 1], [], []>, transpose_lhs_hint = false} : vector<5120x64xbf16>, vector<64x128xbf16>, vector<5120x128xf32> -> vector<5120x128xf32>
      %add3A_120 = arith.addf %get3A_118, %dot_general3A_119 : vector<5120x128xf32>
      %swap3A_121 = arith.constant 0 : index
      %swap3A_122 = arith.constant 0 : index
      %swap3A_123 = vector.load %arg5[%swap3A_121, %swap3A_122] : memref<5120x128xf32, #tpu.memory_space<vmem>>, vector<5120x128xf32>
      tpu.vector_store %arg5[%swap3A_121, %swap3A_122], %add3A_120 {strides = array<i32>} : memref<5120x128xf32, #tpu.memory_space<vmem>>, vector<5120x128xf32>,
    } else {
    }
    %ge3A_55 = arith.constant 192 : i32
    %ge3A_56 = arith.cmpi sge, %reduce_max3A_17, %ge3A_55 : i32
    %convert_element_type3A_57 = arith.extui %ge3A_56 : i1 to i32
    %cond3A_58 = arith.constant 0 : i32
    %cond3A_59 = arith.cmpi ne, %convert_element_type3A_57, %cond3A_58 : i32
    scf.if %cond3A_59 {
      %broadcast_in_dim3A = vector.shape_cast %min3A_5 : vector<5120xi32> to vector<5120x1xi32>
      %add3A_105 = arith.constant 192 : i32
      %add3A_106 = vector.broadcast %add3A_105 : i32 to vector<5120x64xi32>
      %add3A_107 = arith.addi %iota3A, %add3A_106 : vector<5120x64xi32>
      %eq3A = vector.broadcast %broadcast_in_dim3A : vector<5120x1xi32> to vector<5120x64xi32>
      %eq3A_108 = arith.cmpi eq, %eq3A, %add3A_107 : vector<5120x64xi32>
      %convert_element_type3A_109 = arith.extui %eq3A_108 : vector<5120x64xi1> to vector<5120x64xi32>
      %convert_element_type3A_110 = arith.sitofp %convert_element_type3A_109 : vector<5120x64xi32> to vector<5120x64xf32>
      %convert_element_type3A_111 = arith.truncf %convert_element_type3A_110 : vector<5120x64xf32> to vector<5120x64xbf16>
      %get3A_112 = arith.constant 192 : index
      %get3A_113 = arith.constant 0 : index
      %get3A_114 = vector.load %arg3[%get3A_112, %get3A_113] : memref<512x128xf32, #tpu.memory_space<vmem>>, vector<64x128xf32>
      %convert_element_type3A_115 = arith.truncf %get3A_114 : vector<64x128xf32> to vector<64x128xbf16>
      %get3A_116 = arith.constant 0 : index
      %get3A_117 = arith.constant 0 : index
      %get3A_118 = vector.load %arg5[%get3A_116, %get3A_117] : memref<5120x128xf32, #tpu.memory_space<vmem>>, vector<5120x128xf32>
      %dot_general3A = arith.constant dense<0.000000e+00> : vector<5120x128xf32>
      %dot_general3A_119 = tpu.matmul %convert_element_type3A_111, %convert_element_type3A_115, %dot_general3A {dimension_numbers = #tpu.dot_dimension_numbers<[1], [0], [0], [1], [0, 0, 1, 1], [], []>, transpose_lhs_hint = false} : vector<5120x64xbf16>, vector<64x128xbf16>, vector<5120x128xf32> -> vector<5120x128xf32>
      %add3A_120 = arith.addf %get3A_118, %dot_general3A_119 : vector<5120x128xf32>
      %swap3A_121 = arith.constant 0 : index
      %swap3A_122 = arith.constant 0 : index
      %swap3A_123 = vector.load %arg5[%swap3A_121, %swap3A_122] : memref<5120x128xf32, #tpu.memory_space<vmem>>, vector<5120x128xf32>
      tpu.vector_store %arg5[%swap3A_121, %swap3A_122], %add3A_120 {strides = array<i32>} : memref<5120x128xf32, #tpu.memory_space<vmem>>, vector<5120x128xf32>,
    } else {
    }
    %ge3A_60 = arith.constant 192 : i32
    %ge3A_61 = arith.cmpi sge, %reduce_max3A_22, %ge3A_60 : i32
    %convert_element_type3A_62 = arith.extui %ge3A_61 : i1 to i32
    %cond3A_63 = arith.constant 0 : i32
    %cond3A_64 = arith.cmpi ne, %convert_element_type3A_62, %cond3A_63 : i32
    scf.if %cond3A_64 {
      %broadcast_in_dim3A = vector.shape_cast %min3A_13 : vector<5120xi32> to vector<5120x1xi32>
      %add3A_105 = arith.constant 192 : i32
      %add3A_106 = vector.broadcast %add3A_105 : i32 to vector<5120x64xi32>
      %add3A_107 = arith.addi %iota3A, %add3A_106 : vector<5120x64xi32>
      %eq3A = vector.broadcast %broadcast_in_dim3A : vector<5120x1xi32> to vector<5120x64xi32>
      %eq3A_108 = arith.cmpi eq, %eq3A, %add3A_107 : vector<5120x64xi32>
      %convert_element_type3A_109 = arith.extui %eq3A_108 : vector<5120x64xi1> to vector<5120x64xi32>
      %convert_element_type3A_110 = arith.sitofp %convert_element_type3A_109 : vector<5120x64xi32> to vector<5120x64xf32>
      %convert_element_type3A_111 = arith.truncf %convert_element_type3A_110 : vector<5120x64xf32> to vector<5120x64xbf16>
      %get3A_112 = arith.constant 192 : index
      %get3A_113 = arith.constant 0 : index
      %get3A_114 = vector.load %arg4[%get3A_112, %get3A_113] : memref<512x128xf32, #tpu.memory_space<vmem>>, vector<64x128xf32>
      %convert_element_type3A_115 = arith.truncf %get3A_114 : vector<64x128xf32> to vector<64x128xbf16>
      %get3A_116 = arith.constant 0 : index
      %get3A_117 = arith.constant 0 : index
      %get3A_118 = vector.load %arg5[%get3A_116, %get3A_117] : memref<5120x128xf32, #tpu.memory_space<vmem>>, vector<5120x128xf32>
      %dot_general3A = arith.constant dense<0.000000e+00> : vector<5120x128xf32>
      %dot_general3A_119 = tpu.matmul %convert_element_type3A_111, %convert_element_type3A_115, %dot_general3A {dimension_numbers = #tpu.dot_dimension_numbers<[1], [0], [0], [1], [0, 0, 1, 1], [], []>, transpose_lhs_hint = false} : vector<5120x64xbf16>, vector<64x128xbf16>, vector<5120x128xf32> -> vector<5120x128xf32>
      %add3A_120 = arith.addf %get3A_118, %dot_general3A_119 : vector<5120x128xf32>
      %swap3A_121 = arith.constant 0 : index
      %swap3A_122 = arith.constant 0 : index
      %swap3A_123 = vector.load %arg5[%swap3A_121, %swap3A_122] : memref<5120x128xf32, #tpu.memory_space<vmem>>, vector<5120x128xf32>
      tpu.vector_store %arg5[%swap3A_121, %swap3A_122], %add3A_120 {strides = array<i32>} : memref<5120x128xf32, #tpu.memory_space<vmem>>, vector<5120x128xf32>,
    } else {
    }
    %ge3A_65 = arith.constant 256 : i32
    %ge3A_66 = arith.cmpi sge, %reduce_max3A_17, %ge3A_65 : i32
    %convert_element_type3A_67 = arith.extui %ge3A_66 : i1 to i32
    %cond3A_68 = arith.constant 0 : i32
    %cond3A_69 = arith.cmpi ne, %convert_element_type3A_67, %cond3A_68 : i32
    scf.if %cond3A_69 {
      %broadcast_in_dim3A = vector.shape_cast %min3A_5 : vector<5120xi32> to vector<5120x1xi32>
      %add3A_105 = arith.constant 256 : i32
      %add3A_106 = vector.broadcast %add3A_105 : i32 to vector<5120x64xi32>
      %add3A_107 = arith.addi %iota3A, %add3A_106 : vector<5120x64xi32>
      %eq3A = vector.broadcast %broadcast_in_dim3A : vector<5120x1xi32> to vector<5120x64xi32>
      %eq3A_108 = arith.cmpi eq, %eq3A, %add3A_107 : vector<5120x64xi32>
      %convert_element_type3A_109 = arith.extui %eq3A_108 : vector<5120x64xi1> to vector<5120x64xi32>
      %convert_element_type3A_110 = arith.sitofp %convert_element_type3A_109 : vector<5120x64xi32> to vector<5120x64xf32>
      %convert_element_type3A_111 = arith.truncf %convert_element_type3A_110 : vector<5120x64xf32> to vector<5120x64xbf16>
      %get3A_112 = arith.constant 256 : index
      %get3A_113 = arith.constant 0 : index
      %get3A_114 = vector.load %arg3[%get3A_112, %get3A_113] : memref<512x128xf32, #tpu.memory_space<vmem>>, vector<64x128xf32>
      %convert_element_type3A_115 = arith.truncf %get3A_114 : vector<64x128xf32> to vector<64x128xbf16>
      %get3A_116 = arith.constant 0 : index
      %get3A_117 = arith.constant 0 : index
      %get3A_118 = vector.load %arg5[%get3A_116, %get3A_117] : memref<5120x128xf32, #tpu.memory_space<vmem>>, vector<5120x128xf32>
      %dot_general3A = arith.constant dense<0.000000e+00> : vector<5120x128xf32>
      %dot_general3A_119 = tpu.matmul %convert_element_type3A_111, %convert_element_type3A_115, %dot_general3A {dimension_numbers = #tpu.dot_dimension_numbers<[1], [0], [0], [1], [0, 0, 1, 1], [], []>, transpose_lhs_hint = false} : vector<5120x64xbf16>, vector<64x128xbf16>, vector<5120x128xf32> -> vector<5120x128xf32>
      %add3A_120 = arith.addf %get3A_118, %dot_general3A_119 : vector<5120x128xf32>
      %swap3A_121 = arith.constant 0 : index
      %swap3A_122 = arith.constant 0 : index
      %swap3A_123 = vector.load %arg5[%swap3A_121, %swap3A_122] : memref<5120x128xf32, #tpu.memory_space<vmem>>, vector<5120x128xf32>
      tpu.vector_store %arg5[%swap3A_121, %swap3A_122], %add3A_120 {strides = array<i32>} : memref<5120x128xf32, #tpu.memory_space<vmem>>, vector<5120x128xf32>,
    } else {
    }
    %ge3A_70 = arith.constant 256 : i32
    %ge3A_71 = arith.cmpi sge, %reduce_max3A_22, %ge3A_70 : i32
    %convert_element_type3A_72 = arith.extui %ge3A_71 : i1 to i32
    %cond3A_73 = arith.constant 0 : i32
    %cond3A_74 = arith.cmpi ne, %convert_element_type3A_72, %cond3A_73 : i32
    scf.if %cond3A_74 {
      %broadcast_in_dim3A = vector.shape_cast %min3A_13 : vector<5120xi32> to vector<5120x1xi32>
      %add3A_105 = arith.constant 256 : i32
      %add3A_106 = vector.broadcast %add3A_105 : i32 to vector<5120x64xi32>
      %add3A_107 = arith.addi %iota3A, %add3A_106 : vector<5120x64xi32>
      %eq3A = vector.broadcast %broadcast_in_dim3A : vector<5120x1xi32> to vector<5120x64xi32>
      %eq3A_108 = arith.cmpi eq, %eq3A, %add3A_107 : vector<5120x64xi32>
      %convert_element_type3A_109 = arith.extui %eq3A_108 : vector<5120x64xi1> to vector<5120x64xi32>
      %convert_element_type3A_110 = arith.sitofp %convert_element_type3A_109 : vector<5120x64xi32> to vector<5120x64xf32>
      %convert_element_type3A_111 = arith.truncf %convert_element_type3A_110 : vector<5120x64xf32> to vector<5120x64xbf16>
      %get3A_112 = arith.constant 256 : index
      %get3A_113 = arith.constant 0 : index
      %get3A_114 = vector.load %arg4[%get3A_112, %get3A_113] : memref<512x128xf32, #tpu.memory_space<vmem>>, vector<64x128xf32>
      %convert_element_type3A_115 = arith.truncf %get3A_114 : vector<64x128xf32> to vector<64x128xbf16>
      %get3A_116 = arith.constant 0 : index
      %get3A_117 = arith.constant 0 : index
      %get3A_118 = vector.load %arg5[%get3A_116, %get3A_117] : memref<5120x128xf32, #tpu.memory_space<vmem>>, vector<5120x128xf32>
      %dot_general3A = arith.constant dense<0.000000e+00> : vector<5120x128xf32>
      %dot_general3A_119 = tpu.matmul %convert_element_type3A_111, %convert_element_type3A_115, %dot_general3A {dimension_numbers = #tpu.dot_dimension_numbers<[1], [0], [0], [1], [0, 0, 1, 1], [], []>, transpose_lhs_hint = false} : vector<5120x64xbf16>, vector<64x128xbf16>, vector<5120x128xf32> -> vector<5120x128xf32>
      %add3A_120 = arith.addf %get3A_118, %dot_general3A_119 : vector<5120x128xf32>
      %swap3A_121 = arith.constant 0 : index
      %swap3A_122 = arith.constant 0 : index
      %swap3A_123 = vector.load %arg5[%swap3A_121, %swap3A_122] : memref<5120x128xf32, #tpu.memory_space<vmem>>, vector<5120x128xf32>
      tpu.vector_store %arg5[%swap3A_121, %swap3A_122], %add3A_120 {strides = array<i32>} : memref<5120x128xf32, #tpu.memory_space<vmem>>, vector<5120x128xf32>,
    } else {
    }
    %ge3A_75 = arith.constant 320 : i32
    %ge3A_76 = arith.cmpi sge, %reduce_max3A_17, %ge3A_75 : i32
    %convert_element_type3A_77 = arith.extui %ge3A_76 : i1 to i32
    %cond3A_78 = arith.constant 0 : i32
    %cond3A_79 = arith.cmpi ne, %convert_element_type3A_77, %cond3A_78 : i32
    scf.if %cond3A_79 {
      %broadcast_in_dim3A = vector.shape_cast %min3A_5 : vector<5120xi32> to vector<5120x1xi32>
      %add3A_105 = arith.constant 320 : i32
      %add3A_106 = vector.broadcast %add3A_105 : i32 to vector<5120x64xi32>
      %add3A_107 = arith.addi %iota3A, %add3A_106 : vector<5120x64xi32>
      %eq3A = vector.broadcast %broadcast_in_dim3A : vector<5120x1xi32> to vector<5120x64xi32>
      %eq3A_108 = arith.cmpi eq, %eq3A, %add3A_107 : vector<5120x64xi32>
      %convert_element_type3A_109 = arith.extui %eq3A_108 : vector<5120x64xi1> to vector<5120x64xi32>
      %convert_element_type3A_110 = arith.sitofp %convert_element_type3A_109 : vector<5120x64xi32> to vector<5120x64xf32>
      %convert_element_type3A_111 = arith.truncf %convert_element_type3A_110 : vector<5120x64xf32> to vector<5120x64xbf16>
      %get3A_112 = arith.constant 320 : index
      %get3A_113 = arith.constant 0 : index
      %get3A_114 = vector.load %arg3[%get3A_112, %get3A_113] : memref<512x128xf32, #tpu.memory_space<vmem>>, vector<64x128xf32>
      %convert_element_type3A_115 = arith.truncf %get3A_114 : vector<64x128xf32> to vector<64x128xbf16>
      %get3A_116 = arith.constant 0 : index
      %get3A_117 = arith.constant 0 : index
      %get3A_118 = vector.load %arg5[%get3A_116, %get3A_117] : memref<5120x128xf32, #tpu.memory_space<vmem>>, vector<5120x128xf32>
      %dot_general3A = arith.constant dense<0.000000e+00> : vector<5120x128xf32>
      %dot_general3A_119 = tpu.matmul %convert_element_type3A_111, %convert_element_type3A_115, %dot_general3A {dimension_numbers = #tpu.dot_dimension_numbers<[1], [0], [0], [1], [0, 0, 1, 1], [], []>, transpose_lhs_hint = false} : vector<5120x64xbf16>, vector<64x128xbf16>, vector<5120x128xf32> -> vector<5120x128xf32>
      %add3A_120 = arith.addf %get3A_118, %dot_general3A_119 : vector<5120x128xf32>
      %swap3A_121 = arith.constant 0 : index
      %swap3A_122 = arith.constant 0 : index
      %swap3A_123 = vector.load %arg5[%swap3A_121, %swap3A_122] : memref<5120x128xf32, #tpu.memory_space<vmem>>, vector<5120x128xf32>
      tpu.vector_store %arg5[%swap3A_121, %swap3A_122], %add3A_120 {strides = array<i32>} : memref<5120x128xf32, #tpu.memory_space<vmem>>, vector<5120x128xf32>,
    } else {
    }
    %ge3A_80 = arith.constant 320 : i32
    %ge3A_81 = arith.cmpi sge, %reduce_max3A_22, %ge3A_80 : i32
    %convert_element_type3A_82 = arith.extui %ge3A_81 : i1 to i32
    %cond3A_83 = arith.constant 0 : i32
    %cond3A_84 = arith.cmpi ne, %convert_element_type3A_82, %cond3A_83 : i32
    scf.if %cond3A_84 {
      %broadcast_in_dim3A = vector.shape_cast %min3A_13 : vector<5120xi32> to vector<5120x1xi32>
      %add3A_105 = arith.constant 320 : i32
      %add3A_106 = vector.broadcast %add3A_105 : i32 to vector<5120x64xi32>
      %add3A_107 = arith.addi %iota3A, %add3A_106 : vector<5120x64xi32>
      %eq3A = vector.broadcast %broadcast_in_dim3A : vector<5120x1xi32> to vector<5120x64xi32>
      %eq3A_108 = arith.cmpi eq, %eq3A, %add3A_107 : vector<5120x64xi32>
      %convert_element_type3A_109 = arith.extui %eq3A_108 : vector<5120x64xi1> to vector<5120x64xi32>
      %convert_element_type3A_110 = arith.sitofp %convert_element_type3A_109 : vector<5120x64xi32> to vector<5120x64xf32>
      %convert_element_type3A_111 = arith.truncf %convert_element_type3A_110 : vector<5120x64xf32> to vector<5120x64xbf16>
      %get3A_112 = arith.constant 320 : index
      %get3A_113 = arith.constant 0 : index
      %get3A_114 = vector.load %arg4[%get3A_112, %get3A_113] : memref<512x128xf32, #tpu.memory_space<vmem>>, vector<64x128xf32>
      %convert_element_type3A_115 = arith.truncf %get3A_114 : vector<64x128xf32> to vector<64x128xbf16>
      %get3A_116 = arith.constant 0 : index
      %get3A_117 = arith.constant 0 : index
      %get3A_118 = vector.load %arg5[%get3A_116, %get3A_117] : memref<5120x128xf32, #tpu.memory_space<vmem>>, vector<5120x128xf32>
      %dot_general3A = arith.constant dense<0.000000e+00> : vector<5120x128xf32>
      %dot_general3A_119 = tpu.matmul %convert_element_type3A_111, %convert_element_type3A_115, %dot_general3A {dimension_numbers = #tpu.dot_dimension_numbers<[1], [0], [0], [1], [0, 0, 1, 1], [], []>, transpose_lhs_hint = false} : vector<5120x64xbf16>, vector<64x128xbf16>, vector<5120x128xf32> -> vector<5120x128xf32>
      %add3A_120 = arith.addf %get3A_118, %dot_general3A_119 : vector<5120x128xf32>
      %swap3A_121 = arith.constant 0 : index
      %swap3A_122 = arith.constant 0 : index
      %swap3A_123 = vector.load %arg5[%swap3A_121, %swap3A_122] : memref<5120x128xf32, #tpu.memory_space<vmem>>, vector<5120x128xf32>
      tpu.vector_store %arg5[%swap3A_121, %swap3A_122], %add3A_120 {strides = array<i32>} : memref<5120x128xf32, #tpu.memory_space<vmem>>, vector<5120x128xf32>,
    } else {
    }
    %ge3A_85 = arith.constant 384 : i32
    %ge3A_86 = arith.cmpi sge, %reduce_max3A_17, %ge3A_85 : i32
    %convert_element_type3A_87 = arith.extui %ge3A_86 : i1 to i32
    %cond3A_88 = arith.constant 0 : i32
    %cond3A_89 = arith.cmpi ne, %convert_element_type3A_87, %cond3A_88 : i32
    scf.if %cond3A_89 {
      %broadcast_in_dim3A = vector.shape_cast %min3A_5 : vector<5120xi32> to vector<5120x1xi32>
      %add3A_105 = arith.constant 384 : i32
      %add3A_106 = vector.broadcast %add3A_105 : i32 to vector<5120x64xi32>
      %add3A_107 = arith.addi %iota3A, %add3A_106 : vector<5120x64xi32>
      %eq3A = vector.broadcast %broadcast_in_dim3A : vector<5120x1xi32> to vector<5120x64xi32>
      %eq3A_108 = arith.cmpi eq, %eq3A, %add3A_107 : vector<5120x64xi32>
      %convert_element_type3A_109 = arith.extui %eq3A_108 : vector<5120x64xi1> to vector<5120x64xi32>
      %convert_element_type3A_110 = arith.sitofp %convert_element_type3A_109 : vector<5120x64xi32> to vector<5120x64xf32>
      %convert_element_type3A_111 = arith.truncf %convert_element_type3A_110 : vector<5120x64xf32> to vector<5120x64xbf16>
      %get3A_112 = arith.constant 384 : index
      %get3A_113 = arith.constant 0 : index
      %get3A_114 = vector.load %arg3[%get3A_112, %get3A_113] : memref<512x128xf32, #tpu.memory_space<vmem>>, vector<64x128xf32>
      %convert_element_type3A_115 = arith.truncf %get3A_114 : vector<64x128xf32> to vector<64x128xbf16>
      %get3A_116 = arith.constant 0 : index
      %get3A_117 = arith.constant 0 : index
      %get3A_118 = vector.load %arg5[%get3A_116, %get3A_117] : memref<5120x128xf32, #tpu.memory_space<vmem>>, vector<5120x128xf32>
      %dot_general3A = arith.constant dense<0.000000e+00> : vector<5120x128xf32>
      %dot_general3A_119 = tpu.matmul %convert_element_type3A_111, %convert_element_type3A_115, %dot_general3A {dimension_numbers = #tpu.dot_dimension_numbers<[1], [0], [0], [1], [0, 0, 1, 1], [], []>, transpose_lhs_hint = false} : vector<5120x64xbf16>, vector<64x128xbf16>, vector<5120x128xf32> -> vector<5120x128xf32>
      %add3A_120 = arith.addf %get3A_118, %dot_general3A_119 : vector<5120x128xf32>
      %swap3A_121 = arith.constant 0 : index
      %swap3A_122 = arith.constant 0 : index
      %swap3A_123 = vector.load %arg5[%swap3A_121, %swap3A_122] : memref<5120x128xf32, #tpu.memory_space<vmem>>, vector<5120x128xf32>
      tpu.vector_store %arg5[%swap3A_121, %swap3A_122], %add3A_120 {strides = array<i32>} : memref<5120x128xf32, #tpu.memory_space<vmem>>, vector<5120x128xf32>,
    } else {
    }
    %ge3A_90 = arith.constant 384 : i32
    %ge3A_91 = arith.cmpi sge, %reduce_max3A_22, %ge3A_90 : i32
    %convert_element_type3A_92 = arith.extui %ge3A_91 : i1 to i32
    %cond3A_93 = arith.constant 0 : i32
    %cond3A_94 = arith.cmpi ne, %convert_element_type3A_92, %cond3A_93 : i32
    scf.if %cond3A_94 {
      %broadcast_in_dim3A = vector.shape_cast %min3A_13 : vector<5120xi32> to vector<5120x1xi32>
      %add3A_105 = arith.constant 384 : i32
      %add3A_106 = vector.broadcast %add3A_105 : i32 to vector<5120x64xi32>
      %add3A_107 = arith.addi %iota3A, %add3A_106 : vector<5120x64xi32>
      %eq3A = vector.broadcast %broadcast_in_dim3A : vector<5120x1xi32> to vector<5120x64xi32>
      %eq3A_108 = arith.cmpi eq, %eq3A, %add3A_107 : vector<5120x64xi32>
      %convert_element_type3A_109 = arith.extui %eq3A_108 : vector<5120x64xi1> to vector<5120x64xi32>
      %convert_element_type3A_110 = arith.sitofp %convert_element_type3A_109 : vector<5120x64xi32> to vector<5120x64xf32>
      %convert_element_type3A_111 = arith.truncf %convert_element_type3A_110 : vector<5120x64xf32> to vector<5120x64xbf16>
      %get3A_112 = arith.constant 384 : index
      %get3A_113 = arith.constant 0 : index
      %get3A_114 = vector.load %arg4[%get3A_112, %get3A_113] : memref<512x128xf32, #tpu.memory_space<vmem>>, vector<64x128xf32>
      %convert_element_type3A_115 = arith.truncf %get3A_114 : vector<64x128xf32> to vector<64x128xbf16>
      %get3A_116 = arith.constant 0 : index
      %get3A_117 = arith.constant 0 : index
      %get3A_118 = vector.load %arg5[%get3A_116, %get3A_117] : memref<5120x128xf32, #tpu.memory_space<vmem>>, vector<5120x128xf32>
      %dot_general3A = arith.constant dense<0.000000e+00> : vector<5120x128xf32>
      %dot_general3A_119 = tpu.matmul %convert_element_type3A_111, %convert_element_type3A_115, %dot_general3A {dimension_numbers = #tpu.dot_dimension_numbers<[1], [0], [0], [1], [0, 0, 1, 1], [], []>, transpose_lhs_hint = false} : vector<5120x64xbf16>, vector<64x128xbf16>, vector<5120x128xf32> -> vector<5120x128xf32>
      %add3A_120 = arith.addf %get3A_118, %dot_general3A_119 : vector<5120x128xf32>
      %swap3A_121 = arith.constant 0 : index
      %swap3A_122 = arith.constant 0 : index
      %swap3A_123 = vector.load %arg5[%swap3A_121, %swap3A_122] : memref<5120x128xf32, #tpu.memory_space<vmem>>, vector<5120x128xf32>
      tpu.vector_store %arg5[%swap3A_121, %swap3A_122], %add3A_120 {strides = array<i32>} : memref<5120x128xf32, #tpu.memory_space<vmem>>, vector<5120x128xf32>,
    } else {
    }
    %ge3A_95 = arith.constant 448 : i32
    %ge3A_96 = arith.cmpi sge, %reduce_max3A_17, %ge3A_95 : i32
    %convert_element_type3A_97 = arith.extui %ge3A_96 : i1 to i32
    %cond3A_98 = arith.constant 0 : i32
    %cond3A_99 = arith.cmpi ne, %convert_element_type3A_97, %cond3A_98 : i32
    scf.if %cond3A_99 {
      %broadcast_in_dim3A = vector.shape_cast %min3A_5 : vector<5120xi32> to vector<5120x1xi32>
      %add3A_105 = arith.constant 448 : i32
      %add3A_106 = vector.broadcast %add3A_105 : i32 to vector<5120x64xi32>
      %add3A_107 = arith.addi %iota3A, %add3A_106 : vector<5120x64xi32>
      %eq3A = vector.broadcast %broadcast_in_dim3A : vector<5120x1xi32> to vector<5120x64xi32>
      %eq3A_108 = arith.cmpi eq, %eq3A, %add3A_107 : vector<5120x64xi32>
      %convert_element_type3A_109 = arith.extui %eq3A_108 : vector<5120x64xi1> to vector<5120x64xi32>
      %convert_element_type3A_110 = arith.sitofp %convert_element_type3A_109 : vector<5120x64xi32> to vector<5120x64xf32>
      %convert_element_type3A_111 = arith.truncf %convert_element_type3A_110 : vector<5120x64xf32> to vector<5120x64xbf16>
      %get3A_112 = arith.constant 448 : index
      %get3A_113 = arith.constant 0 : index
      %get3A_114 = vector.load %arg3[%get3A_112, %get3A_113] : memref<512x128xf32, #tpu.memory_space<vmem>>, vector<64x128xf32>
      %convert_element_type3A_115 = arith.truncf %get3A_114 : vector<64x128xf32> to vector<64x128xbf16>
      %get3A_116 = arith.constant 0 : index
      %get3A_117 = arith.constant 0 : index
      %get3A_118 = vector.load %arg5[%get3A_116, %get3A_117] : memref<5120x128xf32, #tpu.memory_space<vmem>>, vector<5120x128xf32>
      %dot_general3A = arith.constant dense<0.000000e+00> : vector<5120x128xf32>
      %dot_general3A_119 = tpu.matmul %convert_element_type3A_111, %convert_element_type3A_115, %dot_general3A {dimension_numbers = #tpu.dot_dimension_numbers<[1], [0], [0], [1], [0, 0, 1, 1], [], []>, transpose_lhs_hint = false} : vector<5120x64xbf16>, vector<64x128xbf16>, vector<5120x128xf32> -> vector<5120x128xf32>
      %add3A_120 = arith.addf %get3A_118, %dot_general3A_119 : vector<5120x128xf32>
      %swap3A_121 = arith.constant 0 : index
      %swap3A_122 = arith.constant 0 : index
      %swap3A_123 = vector.load %arg5[%swap3A_121, %swap3A_122] : memref<5120x128xf32, #tpu.memory_space<vmem>>, vector<5120x128xf32>
      tpu.vector_store %arg5[%swap3A_121, %swap3A_122], %add3A_120 {strides = array<i32>} : memref<5120x128xf32, #tpu.memory_space<vmem>>, vector<5120x128xf32>,
    } else {
    }
    %ge3A_100 = arith.constant 448 : i32
    %ge3A_101 = arith.cmpi sge, %reduce_max3A_22, %ge3A_100 : i32
    %convert_element_type3A_102 = arith.extui %ge3A_101 : i1 to i32
    %cond3A_103 = arith.constant 0 : i32
    %cond3A_104 = arith.cmpi ne, %convert_element_type3A_102, %cond3A_103 : i32
    scf.if %cond3A_104 {
      %broadcast_in_dim3A = vector.shape_cast %min3A_13 : vector<5120xi32> to vector<5120x1xi32>
      %add3A_105 = arith.constant 448 : i32
      %add3A_106 = vector.broadcast %add3A_105 : i32 to vector<5120x64xi32>
      %add3A_107 = arith.addi %iota3A, %add3A_106 : vector<5120x64xi32>
      %eq3A = vector.broadcast %broadcast_in_dim3A : vector<5120x1xi32> to vector<5120x64xi32>
      %eq3A_108 = arith.cmpi eq, %eq3A, %add3A_107 : vector<5120x64xi32>
      %convert_element_type3A_109 = arith.extui %eq3A_108 : vector<5120x64xi1> to vector<5120x64xi32>
      %convert_element_type3A_110 = arith.sitofp %convert_element_type3A_109 : vector<5120x64xi32> to vector<5120x64xf32>
      %convert_element_type3A_111 = arith.truncf %convert_element_type3A_110 : vector<5120x64xf32> to vector<5120x64xbf16>
      %get3A_112 = arith.constant 448 : index
      %get3A_113 = arith.constant 0 : index
      %get3A_114 = vector.load %arg4[%get3A_112, %get3A_113] : memref<512x128xf32, #tpu.memory_space<vmem>>, vector<64x128xf32>
      %convert_element_type3A_115 = arith.truncf %get3A_114 : vector<64x128xf32> to vector<64x128xbf16>
      %get3A_116 = arith.constant 0 : index
      %get3A_117 = arith.constant 0 : index
      %get3A_118 = vector.load %arg5[%get3A_116, %get3A_117] : memref<5120x128xf32, #tpu.memory_space<vmem>>, vector<5120x128xf32>
      %dot_general3A = arith.constant dense<0.000000e+00> : vector<5120x128xf32>
      %dot_general3A_119 = tpu.matmul %convert_element_type3A_111, %convert_element_type3A_115, %dot_general3A {dimension_numbers = #tpu.dot_dimension_numbers<[1], [0], [0], [1], [0, 0, 1, 1], [], []>, transpose_lhs_hint = false} : vector<5120x64xbf16>, vector<64x128xbf16>, vector<5120x128xf32> -> vector<5120x128xf32>
      %add3A_120 = arith.addf %get3A_118, %dot_general3A_119 : vector<5120x128xf32>
      %swap3A_121 = arith.constant 0 : index
      %swap3A_122 = arith.constant 0 : index
      %swap3A_123 = vector.load %arg5[%swap3A_121, %swap3A_122] : memref<5120x128xf32, #tpu.memory_space<vmem>>, vector<5120x128xf32>
      tpu.vector_store %arg5[%swap3A_121, %swap3A_122], %add3A_120 {strides = array<i32>} : memref<5120x128xf32, #tpu.memory_space<vmem>>, vector<5120x128xf32>,
    } else {
    }
    return
  }
  func.func @transform_0(%arg0: i32) -> (i32, i32) {
    %c0_i32 = arith.constant 0 : i32
    %c0_i32_0 = arith.constant 0 : i32
    return %c0_i32, %arg0 : i32, i32
  }
  func.func @transform_1(%arg0: i32) -> (i32, i32) {
    %c0_i32 = arith.constant 0 : i32
    %c0_i32_0 = arith.constant 0 : i32
    return %arg0, %c0_i32 : i32, i32
  }
  func.func @transform_2(%arg0: i32) -> (i32, i32) {
    %c0_i32 = arith.constant 0 : i32
    %c0_i32_0 = arith.constant 0 : i32
    %c0_i32_1 = arith.constant 0 : i32
    return %c0_i32, %c0_i32_0 : i32, i32
  }
  func.func @transform_3(%arg0: i32) -> (i32, i32) {
    %c0_i32 = arith.constant 0 : i32
    %c0_i32_0 = arith.constant 0 : i32
    %c0_i32_1 = arith.constant 0 : i32
    return %c0_i32, %c0_i32_0 : i32, i32
  }
  func.func @transform_4(%arg0: i32) -> (i32, i32) {
    %c0_i32 = arith.constant 0 : i32
    %c0_i32_0 = arith.constant 0 : i32
    return %arg0, %c0_i32 : i32, i32
  }
}

</mosaic_0001>

<sc_bundles>
// kernel: kernel.4.cloned.1.call-start
scs
__scs_entry_jumppad:
0x0: {  	(pc) =	sbr.rel $0x88, $3  }
0x1: {  	(tag) =	ssettag $0x0;
	lr =	simm.s32 $0x1  }
0x2: {  	[smem:$0x3F9D] =	sst lr;
	_ =	strace $0xD0000000  }
0x3: {  	_ = 	snop  }
0x4: {  	_ = 	snop  }
0x5: {  	_ = 	snop  }
0x6: {  	_ = 	snop  }
0x7: {  	_ = 	snop  }
__scs_overlays_trampoline_lowered:
0x8: {  	[smem:$0x3FAC] =	sst s0  }
0x9: {  	[smem:$0x3FAD] =	sst s1  }
0xa: {  	[smem:$0x3FAE] =	sst s2  }
0xb: {  	[smem:$0x3FAF] =	sst s3  }
0xc: {  	[smem:$0x3FB0] =	sst s4  }
0xd: {  	[smem:$0x3FB1] =	sst s5  }
0xe: {  	[smem:$0x3FB2] =	sst s6  }
0xf: {  	[smem:$0x3FB3] =	sst s7  }
0x10: {  	[smem:$0x3FB4] =	sst s8  }
0x11: {  	[smem:$0x3FB5] =	sst s9;
	s0 =	simm.s32 @!p0 $0x0  }
0x12: {  	s1 =	sld [smem:$0x3F9B];
	s0 =	simm.s32 @p0 $0x1  }
0x13: {  	[smem:$0x3FB6] =	sst s0;
	s0 =	simm.s32 @!p1 $0x0  }
0x14: {  	s2 =	sld [smem:$0x3F9A];
	s0 =	simm.s32 @p1 $0x1  }
0x15: {  	[smem:$0x3FB7] =	sst s0;
	s0 =	simm.s32 @!p2 $0x0  }
0x16: {  	s3 =	sld [smem:$0x3FDB];
	s0 =	simm.s32 @p2 $0x1  }
0x17: {  	s4 =	simm.s32 $0x1BF5;
	[smem:$0x3FB9] =	sst s0  }
0x18: {  	s0 =	sld [smem:$0x3F9C];
	_ =	swait.ge [sflag:s4], $0x0  }
0x19: {  	s7 =	sld [smem:$0x3F9D]  }
0x1a: {  	s8 =	sadd.s32 $0xFFFFE003, lr  }
0x1b: {  	s9 =	sadd.s32 $0xFFFFFEF7, lr;
	s5 =	simm.s32 $0xFFFFFFFF;
	p2 =	slt.u32 s8, $0xFFFFF086  }
0x1c: {  	p1 =	slt.u32 s9, $0xF7A;
	s5 =	simm.s32 @!p2 $0x0  }
0x1d: {  	s5 =	simm.s32 @p1 $0x1;
	p0 =	seq.s32 s7, s2  }
0x1e: {  	s7 =	smul.u32 @!p0 $0xF7A, s2;
	p2 =	seq.s32 @!p0 s5, $0x0  }
0x1f: {  	s9 =	smul.u32 $0xF7A, s1;
	s8 =	simm.s32 @!p0 $0x1BF5;
	p2 =	por !p2, p0  }
0x20: {  	[sflag:s8] =	ssyncset.s32 @!p0 $0xFFFFF086;
	s6 =	sadd.s32 @!p0 s3, s7;
	s7 =	simm.s32 @!p0 $0x108  }
0x21: {  	s3 =	sadd.s32 s3, s9;
	s6 =	sadd.s32 @!p0 $0x88, s6;
	s7 =	simm.s32 @p2 $0x1082  }
0x22: {  	[simem:s7], [sflag:s8] =	dma.local @!p0 [hbm:s6], $0xF7A  }
0x23: {  	s9 =	sor.u32 $0xD0000000, s2;
	s6 =	simm.s32 $0x108;
	_ =	swait.ge @!p0 [sflag:s8], $0x0  }
0x24: {  	s3 =	sadd.s32 $0x88, s3;
	s6 =	simm.s32 @!p1 $0x1082;
	[sflag:s4] =	ssyncset.s32 $0xFFFFF086  }
0x25: {  	[simem:s6], [sflag:s4] =	dma.local [hbm:s3], $0xF7A  }
0x26: {  	[smem:$0x3F9D] =	sst s1;
	(tag) =	ssettag s2;
	_ =	strace s9  }
0x27: {  	s1 =	sld [smem:$0x3FAD]  }
0x28: {  	s2 =	sld [smem:$0x3FAE]  }
0x29: {  	s4 =	sld [smem:$0x3FB0]  }
0x2a: {  	p0 =	seq.s32 s5, $0x0;
	s5 =	sld [smem:$0x3FB1]  }
0x2b: {  	s6 =	sld [smem:$0x3FB2]  }
0x2c: {  	s7 =	sld [smem:$0x3FB3]  }
0x2d: {  	s3 =	simm.s32 $0x108;
	s8 =	sld [smem:$0x3FB4]  }
0x2e: {  	s3 =	simm.s32 @!p0 $0x1082;
	s9 =	sld [smem:$0x3FB5]  }
0x2f: {  	lr =	sadd.s32 s0, s3;
	s0 =	sld [smem:$0x3FAC]  }
0x30: {  	s3 =	sld [smem:$0x3FAF]  }
0x31: {  	[smem:$0x3FB8] =	sst s10  }
0x32: {  	s10 =	sld [smem:$0x3FB6];
	_ =	sdelay $0x3  }
0x33: {  	p0 =	seq.s32 s10, $0x1;
	s10 =	sld [smem:$0x3FB8];
	_ =	sdelay $0x3  }
0x34: {  	[smem:$0x3FB8] =	sst s10  }
0x35: {  	s10 =	sld [smem:$0x3FB7];
	_ =	sdelay $0x3  }
0x36: {  	p1 =	seq.s32 s10, $0x1;
	s10 =	sld [smem:$0x3FB8];
	_ =	sdelay $0x3  }
0x37: {  	[smem:$0x3FB8] =	sst s10  }
0x38: {  	s10 =	sld [smem:$0x3FB9]  }
0x39: {  	_ = 	snop;
	(pc) =	sbr.ind lr, $3  }
0x3a: {  	_ = 	snop  }
0x3b: {  	_ = 	snop  }
0x3c: {  	p2 =	seq.s32 s10, $0x1;
	s10 =	sld [smem:$0x3FB8]  }
0x3d: {  	_ =	shalt  }
0x3e: {  	_ =	shalt  }
0x3f: {  	_ =	shalt  }
0x40: {  	_ =	shalt  }
0x41: {  	_ =	shalt  }
0x42: {  	_ =	shalt  }
0x43: {  	_ =	shalt  }
0x44: {  	_ =	shalt  }
0x45: {  	_ =	shalt  }
0x46: {  	_ =	shalt  }
0x47: {  	_ =	shalt  }
0x48: {  	_ =	shalt  }
0x49: {  	_ =	shalt  }
0x4a: {  	_ =	shalt  }
0x4b: {  	_ =	shalt  }
0x4c: {  	_ =	shalt  }
0x4d: {  	_ =	shalt  }
0x4e: {  	_ =	shalt  }
0x4f: {  	_ =	shalt  }
0x50: {  	_ =	shalt  }
0x51: {  	_ =	shalt  }
0x52: {  	_ =	shalt  }
0x53: {  	_ =	shalt  }
0x54: {  	_ =	shalt  }
0x55: {  	_ =	shalt  }
0x56: {  	_ =	shalt  }
0x57: {  	_ =	shalt  }
0x58: {  	_ =	shalt  }
0x59: {  	_ =	shalt  }
0x5a: {  	_ =	shalt  }
0x5b: {  	_ =	shalt  }
0x5c: {  	_ =	shalt  }
0x5d: {  	_ =	shalt  }
0x5e: {  	_ =	shalt  }
0x5f: {  	_ =	shalt  }
0x60: {  	_ =	shalt  }
0x61: {  	_ =	shalt  }
0x62: {  	_ =	shalt  }
0x63: {  	_ =	shalt  }
0x64: {  	_ =	shalt  }
0x65: {  	_ =	shalt  }
0x66: {  	_ =	shalt  }
0x67: {  	_ =	shalt  }
0x68: {  	_ =	shalt  }
0x69: {  	_ =	shalt  }
0x6a: {  	_ =	shalt  }
0x6b: {  	_ =	shalt  }
0x6c: {  	_ =	shalt  }
0x6d: {  	_ =	shalt  }
0x6e: {  	_ =	shalt  }
0x6f: {  	_ =	shalt  }
0x70: {  	_ =	shalt  }
0x71: {  	_ =	shalt  }
0x72: {  	_ =	shalt  }
0x73: {  	_ =	shalt  }
0x74: {  	_ =	shalt  }
0x75: {  	_ =	shalt  }
0x76: {  	_ =	shalt  }
0x77: {  	_ =	shalt  }
0x78: {  	_ =	shalt  }
0x79: {  	_ =	shalt  }
0x7a: {  	_ =	shalt  }
0x7b: {  	_ =	shalt  }
0x7c: {  	_ =	shalt  }
0x7d: {  	_ =	shalt  }
0x7e: {  	_ =	shalt  }
0x7f: {  	_ =	shalt  }
0x80: {  	_ =	shalt  }
0x81: {  	_ =	shalt  }
0x82: {  	_ =	shalt  }
0x83: {  	_ =	shalt  }
0x84: {  	_ =	shalt  }
0x85: {  	_ =	shalt  }
0x86: {  	_ =	shalt  }
0x87: {  	_ =	shalt  }
.Lfunc_end0:
.L_simem_size_0:
called_computation_lowered:
.L_overlay_start_0:
0x88: {  	s2 =	sld [smem:$0x3FD9]  }
0x89: {  	s3 =	sld [smem:$0x3FFE];
	_ =	sdelay $0x1  }
0x8a: {  	s1 =	srdreg.scid  }
0x8b: {  	s0 =	sand.u32 $0x1, s1  }
0x8c: {  	s18 =	sshll.u32 s0, $0xA;
	s2 =	sadd.s32 s3, s2  }
0x8d: {  	s2 =	sadd.s32 s2, s18  }
0x8e: {  	[smem:$0x3FC4] =	sst s2  }
0x8f: {  	_ = 	snop  }
0x90: {  	s2 =	sld [smem:$0x3FC8]  }
0x91: {  	s19 =	sld [smem:$0x3FD0];
	(tm) =	ssettm $0x1  }
0x92: {  	s4 =	sld [smem:$0x3FFB];
	_ =	sdelay $0x3  }
0x93: {  	_ =	strace s4  }
0x94: {  	s4 =	sld [smem:$0x3FFC];
	_ =	sdelay $0x3  }
0x95: {  	_ =	strace s4  }
0x96: {  	s4 =	sld [smem:$0x3FFD];
	_ =	sdelay $0x3  }
0x97: {  	_ =	strace s4  }
0x98: {  	_ =	strace $0x8FFFFFFF  }
0x99: {  	s20 =	sld [smem:$0x3FDB];
	_ =	sdelay $0x1  }
0x9a: {  	s5 =	simm.s32 $_scs_section_size  }
0x9b: {  	s6 =	simm.s32 $_size__tile_overlayer_lowered;
	s7 =	simm.s32 $_tile_overlayer_lowered  }
0x9c: {  	s23 =	simm.s32 $0x1BFF;
	s22 =	sshll.u32 s7, $0x1;
	s4 =	sadd.s32 s5, s20  }
0x9d: {  	s8 =	simm.s32 $0x0;
	s21 =	sshll.u32 s6, $0x1;
	s6 =	sadd.s32 s22, s4  }
0x9e: {  	[timem:s8], [sflag:s23] =	dma.local [hbm:s6], s21  }
0x9f: {  	_ =	swait.ge [sflag:s23], s21  }
0xa0: {  	s5 =	ssub.s32 $0x0, s21;
	[sflag:s23] =	ssyncset.done $0x0  }
0xa1: {  	[sflag:s23] =	ssyncadd.s32 s5;
	_ =	sdelay $0x1  }
0xa2: {  	s24 =	simm.s32 $0x1B8B  }
0xa3: {  	_ =	swait.ge [sflag:s24], $0x1  }
0xa4: {  	[sflag:s24] =	ssyncset.done $0x0  }
0xa5: {  	s25 =	simm.s32 $0x1B8E;
	[sflag:s24] =	ssyncadd.s32 $0xFFFFFFFF  }
0xa6: {  	s26 =	simm.s32 $execute0_lowered;
	[smem:$0x3FD2] =	sst s25  }
0xa7: {  	s5 =	sshll.u32 s26, $0x1;
	_ =	strace $0x80000046;
	[dreg:$0x1] =	wrdreg $0xFFFFFFFF  }
0xa8: {  	s28 =	simm.s32 $_size_execute0_lowered;
	s4 =	sadd.s32 s4, s5;
	[dreg:$0x0] =	wrdreg $0x0  }
0xa9: {  	s5 =	sshll.u32 s28, $0x1;
	[dreg:$0x2] =	wrdreg s4  }
0xaa: {  	[dreg:$0x3] =	wrdreg s5  }
0xab: {  	[dreg:$0x4] =	wrdreg $0xC0  }
0xac: {  	_ =	task [dreg:s8], $0x5FFFF  }
0xad: {  	[dreg:$0x1] =	wrdreg $0xFFFFFFFF  }
0xae: {  	[dreg:$0x0] =	wrdreg $0x60  }
0xaf: {  	[dreg:$0x2] =	wrdreg s2  }
0xb0: {  	[dreg:$0x3] =	wrdreg s19  }
0xb1: {  	[dreg:$0x4] =	wrdreg $0xF7000  }
0xb2: {  	[dreg:$0x5] =	wrdreg $0x11F000  }
0xb3: {  	[dreg:$0x6] =	wrdreg $0x9  }
0xb4: {  	_ =	task.clear_ibuf [dreg:s8], $0x7FFFF;
	_ =	strace $0x90000046  }
0xb5: {  	s29 =	simm.s32 $0x9;
	_ =	strace $0x80000048  }
0xb6: {  	_ =	swait.ge [sflag:s29], $0x1  }
0xb7: {  	[sflag:s29] =	ssyncadd.s32 $0xFFFFFFFF  }
0xb8: {  	_ =	strace $0x90000048  }
0xb9: {  	_ =	sfence  }
0xba: {  	s30 =	sld [smem:$0x0];
	_ =	sdelay $0x2  }
0xbb: {  	s31 =	sshll.u32 s1, $0xD;
	s1 =	sshrl.u32 s1, $0x2  }
0xbc: {  	s3 =	sand.u32 $0x4000, s31;
	s1 =	sadd.s32 s1, s30  }
0xbd: {  	s0 =	sor.u32 s3, s0;
	s1 =	sshll.u32 s1, $0x11  }
0xbe: {  	s0 =	sor.u32 s1, s0  }
0xbf: {  	s0 =	sadd.s32 $0x8F2B, s0  }
0xc0: {  	[sflag:s0] =	ssyncadd.remote.s32 $0x1  }
0xc1: {  	_ =	sfence.sel $0xFFFF  }
0xc2: {  	[dreg:$0x0] =	wrdreg $0xFFFFFFFF;
	(pc) =	sbr.abs _section_cstart, $3  }
0xc3: {  	[dreg:$0x1] =	wrdreg $0xFFFFFFFF  }
0xc4: {  	_ =	task.clear_ibuf [dreg:s8], $0x2FFFF;
	_ =	strace $0x9FFFFFFF  }
0xc5: {  	(tm) =	ssettm $0x7FFFFFFF  }
tec
execute0_lowered:
.L_overlay_start_1:
0x0: {  	(tag) =	ssettag $0x1  }
0x1: {  	s0 =	rddreg [dreg:$0x0]  }
0x2: {  	s1 =	rddreg [dreg:$0x1]  }
0x3: {  	s2 =	rddreg [dreg:$0x2];
	s3 =	srdreg.scid  }
0x4: {  	s4 =	rddreg [dreg:$0x3];
	s9 =	stileid.u32;
	s7 =	simm.s32 $0x0  }
0x5: {  	s3 =	sand.u32 $0x1, s3;
	[smem:$0x7FF] =	sst s7;
	s25 =	smul.u32 $0xA00, s9  }
0x6: {  	s22 =	sshrl.u32 s9, $0x3;
	s24 =	sshll.u32 s9, $0x7;
	s26 =	smul.u32 $0x1400, s9  }
0x7: {  	s7 =	simm.s32 $0xCA00;
	s5 =	sshll.u32 s3, $0x4;
	s6 =	ssub.s32 $0x2, s3  }
0x8: {  	_ =	strace $0x80000047;
	s23 =	smul.u32 $0x14000, s22;
	s3 =	sshll.u32 s3, $0x7  }
0x9: {  	s5 =	sor.u32 s9, s5;
	s21 =	sshrl.u32 s6, $0x1;
	s30 =	sadd.s32 s26, s4  }
0xa: {  	s8 =	smul.u32 $0x9C0, s5;
	s6 =	ssub.s32 s6, s21;
	p0 =	seq.s32 s5, $0x1F  }
0xb: {  	s5 =	sand.u32 $0x380, s24;
	[dreg:$0xe] =	wrdreg s30;
	s31 =	smax.u32 s6, $0x1  }
0xc: {  	s0 =	sadd.s32 s0, s8;
	s8 =	simm.s32 $0x290;
	[dreg:$0x11] =	wrdreg s31  }
0xd: {  	[dreg:$0x9] =	wrdreg s0;
	s8 =	simm.s32 @!p0 $0x270;
	s0 =	sor.u32 s5, s23  }
0xe: {  	s3 =	sor.u32 s3, s25;
	s28 =	sadd.s32 s0, s2;
	[dreg:$0xa] =	wrdreg s8  }
0xf: {  	s29 =	sshrl.u32 s3, $0x3;
	s0 =	sadd.s32 s0, s4;
	[dreg:$0xb] =	wrdreg s28  }
0x10: {  	s3 =	simm.s32 $0x1;
	s2 =	sadd.s32 s26, s2;
	[dreg:$0xc] =	wrdreg s0  }
0x11: {  	s6 =	simm.s32 $0x400;
	[dreg:$0xd] =	wrdreg s2;
	s0 =	sadd.s32 s1, s29  }
0x12: {  	s5 =	simm.s32 $0x80;
	[dreg:$0xf] =	wrdreg s0;
	s0 =	sadd.s32 $0x20, s0  }
0x13: {  	v0 =	vimm.s32 $0x0;
	s4 =	simm.s32 $0xA200;
	s1 =	simm.s32 $0x0;
	[dreg:$0x10] =	wrdreg s0  }
.LBB2_1:
0x14: {  	s0 =	simm.s32 $0x0;
	s31 =	rddreg [dreg:$0x9]  }
0x15: {  	[tilespmem:s0], [sflag:$0x1] =	stream.linear.gather [hbm4b:s31+s0], $0x5200, $0x38;
	[tilespmem:$0x14700] =	vst v63  }
0x16: {  	[dreg:$0x12] =	wrdreg s1;
	s0 =	simm.s32 $0xA240  }
0x17: {  	[tilespmem:s0+$0x30] =	vst v0  }
0x18: {  	[tilespmem:s0+$0xFFFFFFF0] =	vst v0  }
0x19: {  	[tilespmem:s0+$0xFFFFFFC0] =	vst v0  }
0x1a: {  	[tilespmem:s0+$0xFFFFFFE0] =	vst v0  }
0x1b: {  	[tilespmem:s0+$0x10] =	vst v0  }
0x1c: {  	[tilespmem:s0+$0x20] =	vst v0  }
0x1d: {  	[tilespmem:s0+$0x0] =	vst v0  }
0x1e: {  	s1 =	simm.s32 $0xCA40;
	[tilespmem:s0+$0xFFFFFFD0] =	vst v0  }
0x1f: {  	[tilespmem:s1+$0xFFFFFFC0] =	vst v0  }
0x20: {  	[tilespmem:s1+$0x30] =	vst v0  }
0x21: {  	[tilespmem:s1+$0x20] =	vst v0  }
0x22: {  	[tilespmem:s1+$0x10] =	vst v0  }
0x23: {  	[tilespmem:s1+$0xFFFFFFE0] =	vst v0  }
0x24: {  	[tilespmem:s1+$0x0] =	vst v0  }
0x25: {  	s2 =	simm.s32 $0x0;
	[tilespmem:s1+$0xFFFFFFF0] =	vst v0  }
.LBB2_2:
0x26: {  	s2 =	sadd.s32 $0x8, s2;
	[tilespmem:s1+$0xFFFFFFD0] =	vst v0;
	s0 =	sadd.s32 $0x80, s0;
	s1 =	sadd.s32 $0x80, s1  }
0x27: {  	[tilespmem:s0+$0x30] =	vst v0;
	p0 =	slt.u32 s2, $0x278  }
0x28: {  	[tilespmem:s0+$0xFFFFFFF0] =	vst v0  }
0x29: {  	[tilespmem:s0+$0xFFFFFFC0] =	vst v0  }
0x2a: {  	[tilespmem:s1+$0xFFFFFFC0] =	vst v0  }
0x2b: {  	[tilespmem:s1+$0x30] =	vst v0  }
0x2c: {  	[tilespmem:s0+$0xFFFFFFE0] =	vst v0  }
0x2d: {  	[tilespmem:s0+$0x10] =	vst v0  }
0x2e: {  	[tilespmem:s0+$0x20] =	vst v0  }
0x2f: {  	[tilespmem:s1+$0x20] =	vst v0  }
0x30: {  	[tilespmem:s1+$0x10] =	vst v0  }
.Ltmp0:
0x31: {  	[tilespmem:s1+$0xFFFFFFE0] =	vst v0;
	(pc) =	sbr.rel @p0 .LBB2_2-.Ltmp0, $4  }
0x32: {  	[tilespmem:s0+$0x0] =	vst v0  }
0x33: {  	[tilespmem:s1+$0x0] =	vst v0  }
0x34: {  	[tilespmem:s1+$0xFFFFFFF0] =	vst v0  }
0x35: {  	[tilespmem:s0+$0xFFFFFFD0] =	vst v0  }
0x36: {  	[tilespmem:s1+$0xFFFFFFD0] =	vst v0  }
0x37: {  	_ =	swait.ge [sflag:s3], $0x5200  }
0x38: {  	[sflag:s3] =	ssyncset.done $0x0  }
0x39: {  	s0 =	simm.s32 $0xF0;
	[sflag:s3] =	ssyncadd.s32 $0xFFFFAE00  }
0x3a: {  	v17 =	vld [tilespmem:s0+$0x0]  }
0x3b: {  	v16 =	vld [tilespmem:s0+$0xFFFFFFA0]  }
0x3c: {  	v13 =	vld [tilespmem:s0+$0xFFFFFFB0]  }
0x3d: {  	v14 =	vld [tilespmem:s0+$0xFFFFFFC0]  }
0x3e: {  	v15 =	vld [tilespmem:s0+$0xFFFFFFD0]  }
0x3f: {  	v12 =	vld [tilespmem:s0+$0xFFFFFFE0];
	(xrf1) =	vunique.msk.u32 $0xffff, v17  }
0x40: {  	v10 =	vld [tilespmem:s0+$0xFFFFFFF0];
	(xrf1) =	vunique.msk.u32 $0xffff, v16  }
0x41: {  	p1 =	sgt.u32 s8, $0x8;
	v1 =	vld [tilespmem:s0+$0xFFFFFF90];
	(xrf1) =	vunique.msk.u32 $0xffff, v13  }
.Ltmp1:
0x42: {  	(xrf1) =	vunique.msk.u32 $0xffff, v14;
	(pc) =	sbr.rel @!p1 .LBB2_4-.Ltmp1, $4  }
0x43: {  	(xrf1) =	vunique.msk.u32 $0xffff, v15  }
0x44: {  	(xrf1) =	vunique.msk.u32 $0xffff, v12  }
0x45: {  	(xrf1) =	vunique.msk.u32 $0xffff, v10  }
0x46: {  	p0 =	por $0x0, $0x0;
	s0 =	simm.s32 $0x1F0;
	(xrf1) =	vunique.msk.u32 $0xffff, v1  }
0x47: {  	_ =	sdelay $0x2  }
0x48: {  	v8 =	vld [tilespmem:s0+$0x0]  }
0x49: {  	v7 =	vld [tilespmem:s0+$0xFFFFFFA0]  }
0x4a: {  	v2 =	vld [tilespmem:s0+$0xFFFFFFB0]  }
0x4b: {  	v3 =	vld [tilespmem:s0+$0xFFFFFFC0];
	_, v9, vm0 =	vpop (xrf1)  }
0x4c: {  	v4 =	vld [tilespmem:s0+$0xFFFFFFD0];
	_, v18, vm1 =	vpop (xrf1)  }
0x4d: {  	v5 =	vld [tilespmem:s0+$0xFFFFFFE0];
	(xrf1) =	vunique.msk.u32 $0xffff, v8;
	_, v19, vm2 =	vpop (xrf1)  }
0x4e: {  	v6 =	vld [tilespmem:s0+$0xFFFFFFF0];
	(xrf1) =	vunique.msk.u32 $0xffff, v7;
	_, v20, vm3 =	vpop (xrf1)  }
0x4f: {  	v11 =	vld [tilespmem:s0+$0xFFFFFF90];
	(xrf1) =	vunique.msk.u32 $0xffff, v2;
	_, v21, vm4 =	vpop (xrf1)  }
0x50: {  	(xrf1) =	vunique.msk.u32 $0xffff, v3;
	_, v22, vm5 =	vpop (xrf1)  }
0x51: {  	(xrf1) =	vunique.msk.u32 $0xffff, v4;
	[tilespmem:v17+s4+$0x0] =	vst.idx.add.s32.msk vm0, v9;
	_, v63, vm6 =	vpop (xrf1)  }
0x52: {  	p1 =	sgt.u32 s8, $0x10;
	(xrf1) =	vunique.msk.u32 $0xffff, v5;
	[tilespmem:v16+s4+$0x0] =	vst.idx.add.s32.msk vm1, v18  }
.Ltmp2:
0x53: {  	(xrf1) =	vunique.msk.u32 $0xffff, v6;
	[tilespmem:v13+s4+$0x0] =	vst.idx.add.s32.msk vm2, v19;
	(pc) =	sbr.rel @!p1 .LBB2_6-.Ltmp2, $4  }
0x54: {  	_, v9, vm0 =	vpop (xrf1);
	(xrf1) =	vunique.msk.u32 $0xffff, v11;
	[tilespmem:v14+s4+$0x0] =	vst.idx.add.s32.msk vm3, v20  }
0x55: {  	[tilespmem:v15+s4+$0x0] =	vst.idx.add.s32.msk vm4, v21  }
0x56: {  	[tilespmem:v12+s4+$0x0] =	vst.idx.add.s32.msk vm5, v22  }
0x57: {  	s0 =	simm.s32 $0x10;
	s1 =	simm.s32 $0x2F0;
	p0 =	por $0x1, $0x1;
	[tilespmem:v10+s4+$0x0] =	vst.idx.add.s32.msk vm6, v63  }
.LBB2_7:
0x58: {  	v10 =	vld [tilespmem:s1+$0x0];
	s0 =	sadd.s32 $0x8, s0  }
0x59: {  	v12 =	vld [tilespmem:s1+$0xFFFFFFA0];
	p1 =	slt.u32 s0, s8  }
0x5a: {  	v13 =	vld [tilespmem:s1+$0xFFFFFFB0]  }
0x5b: {  	v14 =	vld [tilespmem:s1+$0xFFFFFFC0];
	_, v15, vm1 =	vpop (xrf1)  }
0x5c: {  	v16 =	vld [tilespmem:s1+$0xFFFFFFD0];
	_, v17, vm2 =	vpop (xrf1)  }
0x5d: {  	v18 =	vld [tilespmem:s1+$0xFFFFFFE0];
	(xrf1) =	vunique.msk.u32 $0xffff, v10;
	_, v19, vm3 =	vpop (xrf1)  }
0x5e: {  	v20 =	vld [tilespmem:s1+$0xFFFFFFF0];
	(xrf1) =	vunique.msk.u32 $0xffff, v12;
	_, v21, vm4 =	vpop (xrf1)  }
0x5f: {  	v22 =	vld [tilespmem:s1+$0xFFFFFF90];
	(xrf1) =	vunique.msk.u32 $0xffff, v13;
	_, v23, vm5 =	vpop (xrf1)  }
0x60: {  	(xrf1) =	vunique.msk.u32 $0xffff, v14;
	_, v24, vm6 =	vpop (xrf1);
	[tilespmem:v1+s4+$0x0] =	vst.idx.add.s32.msk vm0, v9;
	v1 =	vmov v11  }
0x61: {  	(xrf1) =	vunique.msk.u32 $0xffff, v16;
	[tilespmem:v8+s4+$0x0] =	vst.idx.add.s32.msk vm1, v15;
	_, v15, vm1 =	vpop (xrf1);
	v8 =	vmov v10  }
0x62: {  	(xrf1) =	vunique.msk.u32 $0xffff, v18;
	[tilespmem:v7+s4+$0x0] =	vst.idx.add.s32.msk vm2, v17;
	_, v9, vm0 =	vpop (xrf1);
	v7 =	vmov v12  }
.Ltmp3:
0x63: {  	(xrf1) =	vunique.msk.u32 $0xffff, v20;
	[tilespmem:v2+s4+$0x0] =	vst.idx.add.s32.msk vm3, v19;
	v2 =	vmov v13;
	(pc) =	sbr.rel @p1 .LBB2_7-.Ltmp3, $4  }
0x64: {  	(xrf1) =	vunique.msk.u32 $0xffff, v22;
	[tilespmem:v3+s4+$0x0] =	vst.idx.add.s32.msk vm4, v21;
	v3 =	vmov v14;
	v11 =	vmov v22  }
0x65: {  	[tilespmem:v4+s4+$0x0] =	vst.idx.add.s32.msk vm5, v23;
	v4 =	vmov v16  }
0x66: {  	[tilespmem:v5+s4+$0x0] =	vst.idx.add.s32.msk vm6, v24;
	v5 =	vmov v18  }
0x67: {  	s1 =	sadd.s32 $0x100, s1;
	[tilespmem:v6+s4+$0x0] =	vst.idx.add.s32.msk vm1, v15;
	v6 =	vmov v20  }
0x68: {  	v18 =	vmovc v1;
	v1 =	vmov v11;
	v17 =	vmov v8;
	v16 =	vmov v7  }
0x69: {  	v13 =	vmovc v2;
	v14 =	vmovc v3;
	v15 =	vmov v4;
	v12 =	vmov v5;
	v10 =	vmov v6  }
.LBB2_9:
0x6a: {  	_ = 	snop  }
0x6b: {  	_, v2, vm1 =	vpop (xrf1)  }
0x6c: {  	_, v3, vm2 =	vpop (xrf1)  }
0x6d: {  	_, v4, vm3 =	vpop (xrf1)  }
0x6e: {  	_, v5, vm4 =	vpop (xrf1)  }
0x6f: {  	_, v6, vm5 =	vpop (xrf1)  }
0x70: {  	[tilespmem:v18+s4+$0x0] =	vst.idx.add.s32.msk @p0 vm0, v9;
	_, v7, vm6 =	vpop (xrf1)  }
0x71: {  	[tilespmem:v17+s4+$0x0] =	vst.idx.add.s32.msk vm1, v2;
	_, v2, vm14 =	vpop (xrf1)  }
0x72: {  	[tilespmem:v16+s4+$0x0] =	vst.idx.add.s32.msk vm2, v3;
	_, v3, vm15 =	vpop (xrf1)  }
0x73: {  	[tilespmem:v13+s4+$0x0] =	vst.idx.add.s32.msk vm3, v4  }
0x74: {  	[tilespmem:v14+s4+$0x0] =	vst.idx.add.s32.msk vm4, v5  }
0x75: {  	[tilespmem:v15+s4+$0x0] =	vst.idx.add.s32.msk vm5, v6  }
0x76: {  	[tilespmem:v12+s4+$0x0] =	vst.idx.add.s32.msk vm6, v7  }
0x77: {  	[tilespmem:v10+s4+$0x0] =	vst.idx.add.s32.msk vm14, v2  }
0x78: {  	[tilespmem:v1+s4+$0x0] =	vst.idx.add.s32.msk vm15, v3  }
0x79: {  	s31 =	simm.s32 $0x40;
	s0 =	rddreg [dreg:$0xb]  }
0x7a: {  	[spmem:s0] =	stream.strided.scatter [tilespmem:s4], [sflag:$0x1], $0x2800, s6, s5, $0x38;
	[tilespmem:$0x14700] =	vst v63  }
0x7b: {  	v17 =	vld [tilespmem:s31+$0x30]  }
0x7c: {  	v16 =	vld [tilespmem:s31+$0xFFFFFFD0]  }
0x7d: {  	v13 =	vld [tilespmem:s31+$0xFFFFFFE0]  }
0x7e: {  	v14 =	vld [tilespmem:s31+$0xFFFFFFF0]  }
0x7f: {  	v15 =	vld [tilespmem:s31+$0x0]  }
0x80: {  	v12 =	vld [tilespmem:s31+$0x10];
	(xrf1) =	vunique.msk.u32 $0xffff, v17  }
0x81: {  	v10 =	vld [tilespmem:s31+$0x20];
	(xrf1) =	vunique.msk.u32 $0xffff, v16  }
0x82: {  	p1 =	sgt.u32 s8, $0x8;
	v1 =	vld [tilespmem:s31+$0xFFFFFFC0];
	(xrf1) =	vunique.msk.u32 $0xffff, v13  }
.Ltmp4:
0x83: {  	(xrf1) =	vunique.msk.u32 $0xffff, v14;
	(pc) =	sbr.rel @!p1 .LBB2_10-.Ltmp4, $4  }
0x84: {  	(xrf1) =	vunique.msk.u32 $0xffff, v15  }
0x85: {  	(xrf1) =	vunique.msk.u32 $0xffff, v12  }
0x86: {  	(xrf1) =	vunique.msk.u32 $0xffff, v10  }
0x87: {  	p0 =	por $0x0, $0x0;
	s0 =	simm.s32 $0x140;
	(xrf1) =	vunique.msk.u32 $0xffff, v1  }
0x88: {  	_ =	sdelay $0x2  }
0x89: {  	v8 =	vld [tilespmem:s0+$0x30]  }
0x8a: {  	v7 =	vld [tilespmem:s0+$0xFFFFFFD0]  }
0x8b: {  	v2 =	vld [tilespmem:s0+$0xFFFFFFE0]  }
0x8c: {  	v3 =	vld [tilespmem:s0+$0xFFFFFFF0];
	_, v9, vm0 =	vpop (xrf1)  }
0x8d: {  	v4 =	vld [tilespmem:s0+$0x0];
	_, v18, vm1 =	vpop (xrf1)  }
0x8e: {  	v5 =	vld [tilespmem:s0+$0x10];
	(xrf1) =	vunique.msk.u32 $0xffff, v8;
	_, v19, vm2 =	vpop (xrf1)  }
0x8f: {  	v6 =	vld [tilespmem:s0+$0x20];
	(xrf1) =	vunique.msk.u32 $0xffff, v7;
	_, v20, vm3 =	vpop (xrf1)  }
0x90: {  	v11 =	vld [tilespmem:s0+$0xFFFFFFC0];
	(xrf1) =	vunique.msk.u32 $0xffff, v2;
	_, v21, vm4 =	vpop (xrf1)  }
0x91: {  	(xrf1) =	vunique.msk.u32 $0xffff, v3;
	_, v22, vm5 =	vpop (xrf1)  }
0x92: {  	(xrf1) =	vunique.msk.u32 $0xffff, v4;
	[tilespmem:v17+s7+$0x0] =	vst.idx.add.s32.msk vm0, v9;
	_, v63, vm6 =	vpop (xrf1)  }
0x93: {  	p1 =	sgt.u32 s8, $0x10;
	(xrf1) =	vunique.msk.u32 $0xffff, v5;
	[tilespmem:v16+s7+$0x0] =	vst.idx.add.s32.msk vm1, v18  }
.Ltmp5:
0x94: {  	(xrf1) =	vunique.msk.u32 $0xffff, v6;
	[tilespmem:v13+s7+$0x0] =	vst.idx.add.s32.msk vm2, v19;
	(pc) =	sbr.rel @!p1 .LBB2_12-.Ltmp5, $4  }
0x95: {  	_, v9, vm0 =	vpop (xrf1);
	(xrf1) =	vunique.msk.u32 $0xffff, v11;
	[tilespmem:v14+s7+$0x0] =	vst.idx.add.s32.msk vm3, v20  }
0x96: {  	[tilespmem:v15+s7+$0x0] =	vst.idx.add.s32.msk vm4, v21  }
0x97: {  	[tilespmem:v12+s7+$0x0] =	vst.idx.add.s32.msk vm5, v22  }
0x98: {  	s0 =	simm.s32 $0x10;
	s1 =	simm.s32 $0x240;
	p0 =	por $0x1, $0x1;
	[tilespmem:v10+s7+$0x0] =	vst.idx.add.s32.msk vm6, v63  }
.LBB2_13:
0x99: {  	v10 =	vld [tilespmem:s1+$0x30];
	s0 =	sadd.s32 $0x8, s0  }
0x9a: {  	v12 =	vld [tilespmem:s1+$0xFFFFFFD0];
	p1 =	slt.u32 s0, s8  }
0x9b: {  	v13 =	vld [tilespmem:s1+$0xFFFFFFE0]  }
0x9c: {  	v14 =	vld [tilespmem:s1+$0xFFFFFFF0];
	_, v15, vm1 =	vpop (xrf1)  }
0x9d: {  	v16 =	vld [tilespmem:s1+$0x0];
	_, v17, vm2 =	vpop (xrf1)  }
0x9e: {  	v18 =	vld [tilespmem:s1+$0x10];
	(xrf1) =	vunique.msk.u32 $0xffff, v10;
	_, v19, vm3 =	vpop (xrf1)  }
0x9f: {  	v20 =	vld [tilespmem:s1+$0x20];
	(xrf1) =	vunique.msk.u32 $0xffff, v12;
	_, v21, vm4 =	vpop (xrf1)  }
0xa0: {  	v22 =	vld [tilespmem:s1+$0xFFFFFFC0];
	(xrf1) =	vunique.msk.u32 $0xffff, v13;
	_, v23, vm5 =	vpop (xrf1)  }
0xa1: {  	(xrf1) =	vunique.msk.u32 $0xffff, v14;
	_, v24, vm6 =	vpop (xrf1);
	[tilespmem:v1+s7+$0x0] =	vst.idx.add.s32.msk vm0, v9;
	v1 =	vmov v11  }
0xa2: {  	(xrf1) =	vunique.msk.u32 $0xffff, v16;
	[tilespmem:v8+s7+$0x0] =	vst.idx.add.s32.msk vm1, v15;
	_, v15, vm1 =	vpop (xrf1);
	v8 =	vmov v10  }
0xa3: {  	(xrf1) =	vunique.msk.u32 $0xffff, v18;
	[tilespmem:v7+s7+$0x0] =	vst.idx.add.s32.msk vm2, v17;
	_, v9, vm0 =	vpop (xrf1);
	v7 =	vmov v12  }
.Ltmp6:
0xa4: {  	(xrf1) =	vunique.msk.u32 $0xffff, v20;
	[tilespmem:v2+s7+$0x0] =	vst.idx.add.s32.msk vm3, v19;
	v2 =	vmov v13;
	(pc) =	sbr.rel @p1 .LBB2_13-.Ltmp6, $4  }
0xa5: {  	(xrf1) =	vunique.msk.u32 $0xffff, v22;
	[tilespmem:v3+s7+$0x0] =	vst.idx.add.s32.msk vm4, v21;
	v3 =	vmov v14;
	v11 =	vmov v22  }
0xa6: {  	[tilespmem:v4+s7+$0x0] =	vst.idx.add.s32.msk vm5, v23;
	v4 =	vmov v16  }
0xa7: {  	[tilespmem:v5+s7+$0x0] =	vst.idx.add.s32.msk vm6, v24;
	v5 =	vmov v18  }
0xa8: {  	s1 =	sadd.s32 $0x100, s1;
	[tilespmem:v6+s7+$0x0] =	vst.idx.add.s32.msk vm1, v15;
	v6 =	vmov v20  }
0xa9: {  	v18 =	vmovc v1;
	v1 =	vmov v11;
	v17 =	vmov v8;
	v16 =	vmov v7  }
0xaa: {  	v13 =	vmovc v2;
	v14 =	vmovc v3;
	v15 =	vmov v4;
	v12 =	vmov v5;
	v10 =	vmov v6  }
.LBB2_15:
0xab: {  	_ = 	snop  }
0xac: {  	_, v2, vm1 =	vpop (xrf1)  }
0xad: {  	_, v3, vm2 =	vpop (xrf1)  }
0xae: {  	_, v4, vm3 =	vpop (xrf1)  }
0xaf: {  	_, v5, vm4 =	vpop (xrf1)  }
0xb0: {  	_, v6, vm5 =	vpop (xrf1)  }
0xb1: {  	[tilespmem:v18+s7+$0x0] =	vst.idx.add.s32.msk @p0 vm0, v9;
	_, v7, vm6 =	vpop (xrf1)  }
0xb2: {  	[tilespmem:v17+s7+$0x0] =	vst.idx.add.s32.msk vm1, v2;
	_, v2, vm14 =	vpop (xrf1)  }
0xb3: {  	[tilespmem:v16+s7+$0x0] =	vst.idx.add.s32.msk vm2, v3;
	_, v3, vm15 =	vpop (xrf1)  }
0xb4: {  	[tilespmem:v13+s7+$0x0] =	vst.idx.add.s32.msk vm3, v4  }
0xb5: {  	[tilespmem:v14+s7+$0x0] =	vst.idx.add.s32.msk vm4, v5  }
0xb6: {  	[tilespmem:v15+s7+$0x0] =	vst.idx.add.s32.msk vm5, v6  }
0xb7: {  	[tilespmem:v12+s7+$0x0] =	vst.idx.add.s32.msk vm6, v7  }
0xb8: {  	[tilespmem:v10+s7+$0x0] =	vst.idx.add.s32.msk vm14, v2  }
0xb9: {  	[tilespmem:v1+s7+$0x0] =	vst.idx.add.s32.msk vm15, v3  }
0xba: {  	s0 =	rddreg [dreg:$0xc]  }
0xbb: {  	[spmem:s0] =	stream.strided.scatter [tilespmem:s7], [sflag:$0x1], $0x2800, s6, s5, $0x38;
	[tilespmem:$0x14700] =	vst v63  }
0xbc: {  	_ =	swait.ge [sflag:s3], $0x2800  }
0xbd: {  	[sflag:s3] =	ssyncset.done $0x0  }
0xbe: {  	[sflag:s3] =	ssyncadd.s32 $0xFFFFD800  }
0xbf: {  	_ =	swait.ge [sflag:s3], $0x2800  }
0xc0: {  	[sflag:s3] =	ssyncset.done $0x0  }
0xc1: {  	[sflag:s3] =	ssyncadd.s32 $0xFFFFD800  }
0xc2: {  	s1 =	simm.s32 $0x1400;
	[bflag:$0x0] =	sbarrier.arrive $0xFFFF  }
0xc3: {  	s2 =	simm.s32 $0x14000;
	s4 =	simm.s32 $0x5200;
	s11 =	rddreg [dreg:$0xd]  }
0xc4: {  	[tilespmem:s4], [sflag:$0x1] =	stream.strided.gather [spmem:s11], $0x2800, s2, s1, $0x38;
	[tilespmem:$0x14700] =	vst v63  }
0xc5: {  	s13 =	simm.s32 $0x7A00;
	s12 =	rddreg [dreg:$0xe]  }
0xc6: {  	[tilespmem:s13], [sflag:$0x1] =	stream.strided.gather [spmem:s12], $0x2800, s2, s1, $0x38;
	[tilespmem:$0x14700] =	vst v63  }
0xc7: {  	_ =	swait.ge [sflag:s3], $0x2800  }
0xc8: {  	[sflag:s3] =	ssyncset.done $0x0  }
0xc9: {  	s14 =	simm.s32 $0x0;
	[sflag:s3] =	ssyncadd.s32 $0xFFFFD800  }
0xca: {  	s1 =	sand.u32 $0x60, s14;
	s12 =	sand.u32 $0x1C00, s14;
	_ =	swait.ge [sflag:s3], $0x2800  }
0xcb: {  	s0 =	sadd.s32 $0x6980, s12;
	s29 =	sor.u32 $0x10, s1;
	[sflag:s3] =	ssyncset.done $0x0  }
0xcc: {  	s15 =	sor.u32 s29, s0;
	[sflag:s3] =	ssyncadd.s32 $0xFFFFD800  }
0xcd: {  	v1 =	vld [tilespmem:s15+$0x0];
	_ =	sdelay $0x3  }
0xce: {  	s11 =	sadd.s32 $0x9180, s12  }
0xcf: {  	s16 =	sor.u32 s29, s11;
	[tilespmem:$0x1FF90] =	vst v1  }
0xd0: {  	v1 =	vld [tilespmem:s16+$0x0];
	_ =	sdelay $0x3  }
0xd1: {  	s3 =	sadd.s32 $0x6900, s12  }
0xd2: {  	s17 =	sor.u32 s29, s3;
	[tilespmem:$0x1FF20] =	vst v1  }
0xd3: {  	v1 =	vld [tilespmem:s17+$0x0];
	_ =	sdelay $0x3  }
0xd4: {  	s5 =	sadd.s32 $0x9100, s12  }
0xd5: {  	s18 =	sor.u32 s29, s5;
	[tilespmem:$0x1FF80] =	vst v1  }
0xd6: {  	v1 =	vld [tilespmem:s18+$0x0];
	_ =	sdelay $0x3  }
0xd7: {  	s6 =	sadd.s32 $0x6880, s12  }
0xd8: {  	s9 =	sor.u32 s29, s6;
	[tilespmem:$0x1FF10] =	vst v1  }
0xd9: {  	v1 =	vld [tilespmem:s9+$0x0];
	_ =	sdelay $0x3  }
0xda: {  	s7 =	sadd.s32 $0x9080, s12  }
0xdb: {  	s19 =	sor.u32 s29, s7;
	[tilespmem:$0x1FF70] =	vst v1  }
0xdc: {  	v1 =	vld [tilespmem:s19+$0x0];
	_ =	sdelay $0x3  }
0xdd: {  	s8 =	sadd.s32 $0x6800, s12  }
0xde: {  	s10 =	sor.u32 s29, s8;
	[tilespmem:$0x1FF00] =	vst v1  }
0xdf: {  	v1 =	vld [tilespmem:s10+$0x0];
	_ =	sdelay $0x3  }
0xe0: {  	s4 =	sadd.s32 $0x9000, s12  }
0xe1: {  	s13 =	sor.u32 s29, s4;
	[tilespmem:$0x1FF60] =	vst v1  }
0xe2: {  	v1 =	vld [tilespmem:s13+$0x0];
	_ =	sdelay $0x3  }
0xe3: {  	s9 =	sadd.s32 $0x6780, s12  }
0xe4: {  	s14 =	sor.u32 s29, s9;
	[tilespmem:$0x1FEF0] =	vst v1  }
0xe5: {  	v1 =	vld [tilespmem:s14+$0x0];
	_ =	sdelay $0x3  }
0xe6: {  	s10 =	sadd.s32 $0x8F80, s12  }
0xe7: {  	s20 =	sor.u32 s29, s10;
	[tilespmem:$0x1FF50] =	vst v1  }
0xe8: {  	v1 =	vld [tilespmem:s20+$0x0];
	_ =	sdelay $0x3  }
0xe9: {  	s13 =	sadd.s32 $0x7A00, s12  }
0xea: {  	s15 =	sadd.s32 $0x7A80, s12;
	s16 =	sor.u32 s29, s13;
	[tilespmem:$0x1FEE0] =	vst v1  }
0xeb: {  	s21 =	sor.u32 s29, s15;
	s14 =	sadd.s32 $0x7B00, s12;
	v60 =	vld [tilespmem:s16+$0x0]  }
0xec: {  	s17 =	sadd.s32 $0x7B80, s12;
	s23 =	sor.u32 s29, s14;
	v15 =	vld [tilespmem:s21+$0x0]  }
0xed: {  	s24 =	sor.u32 s29, s17;
	s18 =	sadd.s32 $0x7C00, s12;
	v63 =	vld [tilespmem:s23+$0x0]  }
0xee: {  	s2 =	sadd.s32 $0x7C80, s12;
	s25 =	sor.u32 s29, s18;
	v61 =	vld [tilespmem:s24+$0x0]  }
0xef: {  	s19 =	sadd.s32 $0x7D00, s12;
	s20 =	sor.u32 s29, s2;
	v58 =	vld [tilespmem:s25+$0x0]  }
0xf0: {  	v55 =	vld [tilespmem:s20+$0x0];
	s23 =	sor.u32 s29, s19;
	s16 =	sadd.s32 $0x6700, s12  }
0xf1: {  	s21 =	sadd.s32 $0x7D80, s12;
	v52 =	vld [tilespmem:s23+$0x0];
	s28 =	sor.u32 s29, s16  }
0xf2: {  	s20 =	sadd.s32 $0x8E00, s12;
	s24 =	sor.u32 s29, s21;
	v1 =	vld [tilespmem:s28+$0x0]  }
0xf3: {  	s23 =	sadd.s32 $0x8E80, s12;
	s25 =	sor.u32 s29, s20;
	v50 =	vld [tilespmem:s24+$0x0]  }
0xf4: {  	s24 =	sadd.s32 $0x8F00, s12;
	v46 =	vld [tilespmem:s25+$0x0];
	s25 =	sor.u32 s29, s23  }
0xf5: {  	v47 =	vld [tilespmem:s25+$0x0];
	s25 =	sor.u32 s29, s24  }
0xf6: {  	v48 =	vld [tilespmem:s25+$0x0];
	s25 =	sadd.s32 $0x6680, s12  }
0xf7: {  	s30 =	sor.u32 s29, s25;
	[tilespmem:$0x1FF40] =	vst v1  }
0xf8: {  	v1 =	vld [tilespmem:s30+$0x0];
	_ =	sdelay $0x3  }
0xf9: {  	s28 =	sadd.s32 $0x6600, s12  }
0xfa: {  	s30 =	sor.u32 s29, s28;
	[tilespmem:$0x1FF30] =	vst v1  }
0xfb: {  	s13 =	sor.u32 s1, s13;
	v37 =	vld [tilespmem:s30+$0x0]  }
0xfc: {  	s15 =	sor.u32 s1, s15;
	v49 =	vld [tilespmem:s13+$0x0]  }
0xfd: {  	s17 =	sor.u32 s1, s17;
	v53 =	vld [tilespmem:s15+$0x0]  }
0xfe: {  	s18 =	sor.u32 s1, s18;
	v51 =	vld [tilespmem:s17+$0x0]  }
0xff: {  	s2 =	sor.u32 s1, s2;
	v44 =	vld [tilespmem:s18+$0x0]  }
0x100: {  	s9 =	sor.u32 s1, s9;
	v41 =	vld [tilespmem:s2+$0x0]  }
0x101: {  	s10 =	sor.u32 s1, s10;
	v34 =	vld [tilespmem:s9+$0x0]  }
0x102: {  	s8 =	sor.u32 s1, s8;
	v26 =	vld [tilespmem:s10+$0x0]  }
0x103: {  	s4 =	sor.u32 s1, s4;
	v35 =	vld [tilespmem:s8+$0x0]  }
0x104: {  	s6 =	sor.u32 s1, s6;
	v27 =	vld [tilespmem:s4+$0x0]  }
0x105: {  	s3 =	sor.u32 s1, s3;
	s12 =	sadd.s32 $0x5200, s12;
	v36 =	vld [tilespmem:s6+$0x0]  }
0x106: {  	s30 =	sor.u32 s29, s12;
	v19 =	vld [tilespmem:s3+$0x0]  }
0x107: {  	v40 =	vld [tilespmem:s30+$0x380]  }
0x108: {  	v43 =	vld [tilespmem:s30+$0x300]  }
0x109: {  	v56 =	vld [tilespmem:s30+$0x280]  }
0x10a: {  	v17 =	vld [tilespmem:s30+$0x200]  }
0x10b: {  	v13 =	vld [tilespmem:s30+$0x180]  }
0x10c: {  	v12 =	vld [tilespmem:s30+$0x100]  }
0x10d: {  	v10 =	vld [tilespmem:s30+$0x0]  }
0x10e: {  	s12 =	sor.u32 s1, s12;
	v9 =	vld [tilespmem:s30+$0x80]  }
0x10f: {  	v16 =	vld [tilespmem:s12+$0x0]  }
0x110: {  	v14 =	vld [tilespmem:s12+$0x80]  }
0x111: {  	s15 =	sor.u32 s1, s14;
	v62 =	vld [tilespmem:s12+$0x100]  }
0x112: {  	v57 =	vld [tilespmem:s15+$0x0]  }
0x113: {  	v59 =	vld [tilespmem:s12+$0x180]  }
0x114: {  	v54 =	vld [tilespmem:s12+$0x200]  }
0x115: {  	v45 =	vld [tilespmem:s12+$0x280]  }
0x116: {  	s14 =	sor.u32 s1, s19;
	v39 =	vld [tilespmem:s12+$0x300]  }
0x117: {  	v38 =	vld [tilespmem:s14+$0x0]  }
0x118: {  	s17 =	sor.u32 s1, s28;
	v30 =	vld [tilespmem:s12+$0x380]  }
0x119: {  	s18 =	sor.u32 s1, s20;
	v31 =	vld [tilespmem:s17+$0x0]  }
0x11a: {  	s19 =	sor.u32 s1, s25;
	v23 =	vld [tilespmem:s18+$0x0]  }
0x11b: {  	s20 =	sor.u32 s1, s23;
	v32 =	vld [tilespmem:s19+$0x0]  }
0x11c: {  	s23 =	sor.u32 s1, s24;
	v24 =	vld [tilespmem:s20+$0x0]  }
0x11d: {  	s8 =	sor.u32 s1, s11;
	v25 =	vld [tilespmem:s23+$0x0]  }
0x11e: {  	s24 =	sor.u32 s1, s7;
	v1 =	vld [tilespmem:s8+$0x0]  }
0x11f: {  	s25 =	sor.u32 s1, s5;
	s5 =	simm.s32 $0x100;
	v28 =	vld [tilespmem:s24+$0x0]  }
0x120: {  	s6 =	simm.s32 $0x20;
	s7 =	sor.u32 s1, s0;
	s15 =	sor.u32 s1, s21;
	v21 =	vld [tilespmem:s25+$0x0]  }
0x121: {  	v15 =	vadd.s32 v60, v15;
	s21 =	sor.u32 s1, s16;
	s0 =	sand.u32 $0x60, s6;
	s16 =	sand.u32 $0x1C00, s5;
	v20 =	vld [tilespmem:s7+$0x0]  }
0x122: {  	v15 =	vadd.s32 v63, v15;
	v22 =	vld [tilespmem:s15+$0x0];
	s31 =	sadd.s32 $0x6980, s16;
	s19 =	sor.u32 $0x10, s0  }
0x123: {  	v15 =	vadd.s32 v61, v15;
	v33 =	vld [tilespmem:s21+$0x0];
	s9 =	sor.u32 s19, s31;
	[tilespmem:$0x1FFA0] =	vst v1  }
0x124: {  	v15 =	vadd.s32 v58, v15;
	v1 =	vld [tilespmem:s9+$0x0]  }
0x125: {  	v55 =	vadd.s32 v55, v15  }
0x126: {  	v55 =	vadd.s32 v52, v55  }
0x127: {  	v50 =	vadd.s32 v50, v55  }
0x128: {  	v46 =	vadd.s32 v46, v50;
	v50 =	vld [tilespmem:$0x1FEE0];
	s25 =	sadd.s32 $0x6900, s16  }
0x129: {  	s11 =	sor.u32 s19, s25;
	[tilespmem:$0x1FFF0] =	vst v1  }
0x12a: {  	v9 =	vadd.s32 v10, v9;
	v1 =	vld [tilespmem:s11+$0x0]  }
0x12b: {  	v46 =	vadd.s32 v47, v46;
	v9 =	vadd.s32 v12, v9  }
0x12c: {  	v46 =	vadd.s32 v48, v46;
	v48 =	vld [tilespmem:$0x1FEF0];
	v9 =	vadd.s32 v13, v9  }
0x12d: {  	s1 =	sadd.s32 $0x9180, s16;
	v46 =	vadd.s32 v50, v46;
	v50 =	vld [tilespmem:$0x1FF00];
	v9 =	vadd.s32 v17, v9  }
0x12e: {  	s23 =	sadd.s32 $0x6880, s16;
	s10 =	sor.u32 s19, s1;
	v9 =	vadd.s32 v56, v9;
	v56 =	vld [tilespmem:$0x1FF10]  }
0x12f: {  	s13 =	sor.u32 s19, s23;
	v29 =	vld [tilespmem:s10+$0x0];
	[tilespmem:$0x1FFE0] =	vst v1  }
0x130: {  	v1 =	vld [tilespmem:s13+$0x0]  }
0x131: {  	v46 =	vadd.s32 v48, v46  }
0x132: {  	v46 =	vadd.s32 v50, v46  }
0x133: {  	s2 =	sadd.s32 $0x9100, s16;
	v14 =	vadd.s32 v16, v14;
	v46 =	vadd.s32 v56, v46;
	v56 =	vld [tilespmem:$0x1FF20]  }
0x134: {  	s3 =	sadd.s32 $0x6800, s16;
	s12 =	sor.u32 s19, s2;
	v14 =	vadd.s32 v62, v14;
	v62 =	vld [tilespmem:$0x1FF30]  }
0x135: {  	s17 =	sor.u32 s19, s3;
	v42 =	vld [tilespmem:s12+$0x0];
	[tilespmem:$0x1FFD0] =	vst v1  }
0x136: {  	v14 =	vadd.s32 v59, v14;
	v1 =	vld [tilespmem:s17+$0x0]  }
0x137: {  	v14 =	vadd.s32 v54, v14;
	v54 =	vld [tilespmem:$0x1FF50]  }
0x138: {  	v46 =	vadd.s32 v56, v46;
	v56 =	vadd.s32 v49, v53;
	v53 =	vld [tilespmem:$0x1FF40]  }
0x139: {  	s20 =	sadd.s32 $0x9080, s16;
	v9 =	vadd.s32 v43, v9;
	v48 =	vadd.s32 v57, v56;
	v56 =	vld [tilespmem:$0x1FF60]  }
0x13a: {  	s18 =	sadd.s32 $0x6780, s16;
	s14 =	sor.u32 s19, s20;
	v9 =	vadd.s32 v40, v9;
	v57 =	vld [tilespmem:$0x1FF70]  }
0x13b: {  	s24 =	sor.u32 s19, s18;
	v9 =	vadd.s32 v37, v9;
	v18 =	vld [tilespmem:s14+$0x0];
	[tilespmem:$0x1FFC0] =	vst v1  }
0x13c: {  	v9 =	vadd.s32 v62, v9;
	v1 =	vld [tilespmem:s24+$0x0]  }
0x13d: {  	v9 =	vadd.s32 v53, v9  }
0x13e: {  	v59 =	vld [tilespmem:$0x1FF80];
	v9 =	vadd.s32 v54, v9  }
0x13f: {  	s15 =	sadd.s32 $0x9000, s16;
	v62 =	vld [tilespmem:$0x1FF90];
	v9 =	vadd.s32 v56, v9  }
0x140: {  	s21 =	sor.u32 s19, s15;
	s17 =	sadd.s32 $0x8F80, s16;
	v9 =	vadd.s32 v57, v9;
	v57 =	vld [tilespmem:$0x1FFA0]  }
0x141: {  	s28 =	sadd.s32 $0x7A00, s16;
	s6 =	sor.u32 s19, s17;
	v11 =	vld [tilespmem:s21+$0x0];
	[tilespmem:$0x1FFB0] =	vst v1  }
0x142: {  	s7 =	sor.u32 s19, s28;
	s24 =	sadd.s32 $0x7A80, s16;
	v8 =	vld [tilespmem:s6+$0x0]  }
0x143: {  	s14 =	sadd.s32 $0x7B00, s16;
	s8 =	sor.u32 s19, s24;
	v3 =	vld [tilespmem:s7+$0x0]  }
0x144: {  	s13 =	sadd.s32 $0x7B80, s16;
	s9 =	sor.u32 s19, s14;
	v1 =	vld [tilespmem:s8+$0x0]  }
0x145: {  	s12 =	sadd.s32 $0x7C00, s16;
	s10 =	sor.u32 s19, s13;
	v2 =	vld [tilespmem:s9+$0x0]  }
0x146: {  	s21 =	sor.u32 s19, s12;
	v4 =	vld [tilespmem:s10+$0x0]  }
0x147: {  	s28 =	sor.u32 s0, s28;
	v5 =	vld [tilespmem:s21+$0x0]  }
0x148: {  	s24 =	sor.u32 s0, s24;
	v37 =	vld [tilespmem:s28+$0x0]  }
0x149: {  	s14 =	sor.u32 s0, s14;
	v49 =	vld [tilespmem:s24+$0x0]  }
0x14a: {  	s11 =	sadd.s32 $0x7C80, s16;
	s13 =	sor.u32 s0, s13;
	v50 =	vld [tilespmem:s14+$0x0]  }
0x14b: {  	s4 =	sadd.s32 $0x7D00, s16;
	v14 =	vadd.s32 v45, v14;
	s7 =	sor.u32 s19, s11;
	v45 =	vld [tilespmem:s13+$0x0]  }
0x14c: {  	s8 =	sadd.s32 $0x7D80, s16;
	s9 =	sor.u32 s19, s4;
	v6 =	vld [tilespmem:s7+$0x0]  }
0x14d: {  	s5 =	sadd.s32 $0x8E80, s16;
	v60 =	vld [tilespmem:s9+$0x0];
	s10 =	sor.u32 s19, s8  }
0x14e: {  	s9 =	sor.u32 s19, s5;
	v63 =	vld [tilespmem:s10+$0x0]  }
0x14f: {  	s7 =	sadd.s32 $0x8E00, s16;
	s24 =	sor.u32 s0, s8;
	v61 =	vld [tilespmem:s9+$0x0]  }
0x150: {  	s6 =	sadd.s32 $0x6700, s16;
	s21 =	sor.u32 s19, s7;
	v53 =	vld [tilespmem:s24+$0x0]  }
0x151: {  	s9 =	sor.u32 s19, s6;
	v7 =	vld [tilespmem:s21+$0x0];
	s21 =	sadd.s32 $0x8F00, s16  }
0x152: {  	v15 =	vld [tilespmem:s9+$0x0];
	s10 =	sor.u32 s19, s21  }
0x153: {  	s12 =	sor.u32 s0, s12;
	s9 =	sadd.s32 $0x6600, s16;
	v58 =	vld [tilespmem:s10+$0x0]  }
0x154: {  	s8 =	sor.u32 s0, s9;
	v1 =	vadd.s32 v3, v1;
	v3 =	vld [tilespmem:s12+$0x0]  }
0x155: {  	v9 =	vadd.s32 v59, v9;
	s13 =	sor.u32 s0, s21;
	v54 =	vld [tilespmem:s8+$0x0]  }
0x156: {  	v9 =	vadd.s32 v62, v9;
	s11 =	sor.u32 s0, s11;
	s10 =	sadd.s32 $0x6680, s16;
	v62 =	vld [tilespmem:s13+$0x0]  }
0x157: {  	s30 =	sor.u32 s19, s10;
	v1 =	vadd.s32 v2, v1;
	v2 =	vld [tilespmem:s11+$0x0]  }
0x158: {  	s4 =	sor.u32 s0, s4;
	v52 =	vld [tilespmem:s30+$0x0]  }
0x159: {  	s30 =	sor.u32 s19, s9;
	v1 =	vadd.s32 v4, v1;
	v4 =	vld [tilespmem:s4+$0x0]  }
0x15a: {  	s16 =	sadd.s32 $0x5200, s16;
	s9 =	sor.u32 s0, s7;
	v55 =	vld [tilespmem:s30+$0x0]  }
0x15b: {  	s30 =	sor.u32 s19, s16;
	v56 =	vld [tilespmem:s9+$0x0]  }
0x15c: {  	v17 =	vld [tilespmem:s30+$0x200]  }
0x15d: {  	v47 =	vld [tilespmem:s30+$0x180]  }
0x15e: {  	v14 =	vadd.s32 v39, v14;
	v48 =	vadd.s32 v51, v48;
	v1 =	vadd.s32 v5, v1;
	v43 =	vld [tilespmem:s30+$0x100]  }
0x15f: {  	v14 =	vadd.s32 v30, v14;
	v44 =	vadd.s32 v44, v48;
	v16 =	vld [tilespmem:s30+$0x0];
	v1 =	vadd.s32 v6, v1  }
0x160: {  	v14 =	vadd.s32 v31, v14;
	v41 =	vadd.s32 v41, v44;
	s16 =	sor.u32 s0, s16;
	v40 =	vld [tilespmem:s30+$0x80];
	v1 =	vadd.s32 v60, v1  }
0x161: {  	v14 =	vadd.s32 v32, v14;
	v38 =	vadd.s32 v38, v41;
	v6 =	vld [tilespmem:s16+$0x0];
	v1 =	vadd.s32 v63, v1  }
0x162: {  	v14 =	vadd.s32 v33, v14;
	v5 =	vadd.s32 v22, v38;
	v38 =	vld [tilespmem:s16+$0x80];
	v1 =	vadd.s32 v7, v1  }
0x163: {  	v14 =	vadd.s32 v34, v14;
	v39 =	vld [tilespmem:s16+$0x100];
	v1 =	vadd.s32 v61, v1  }
0x164: {  	v14 =	vadd.s32 v35, v14;
	v13 =	vld [tilespmem:s30+$0x280];
	v1 =	vadd.s32 v58, v1  }
0x165: {  	v14 =	vadd.s32 v36, v14;
	v7 =	vld [tilespmem:s16+$0x180];
	v1 =	vadd.s32 v8, v1;
	v8 =	vadd.s32 v16, v40  }
0x166: {  	v59 =	vadd.s32 v37, v49;
	v10 =	vld [tilespmem:s30+$0x380];
	v1 =	vadd.s32 v11, v1;
	v8 =	vadd.s32 v43, v8  }
0x167: {  	v12 =	vld [tilespmem:s30+$0x300];
	v6 =	vadd.s32 v6, v38;
	v1 =	vadd.s32 v18, v1;
	v8 =	vadd.s32 v47, v8  }
0x168: {  	s14 =	simm.s32 $0x0;
	v41 =	vld [tilespmem:s16+$0x200];
	v6 =	vadd.s32 v39, v6;
	v1 =	vadd.s32 v42, v1;
	v8 =	vadd.s32 v17, v8  }
0x169: {  	s4 =	sand.u32 $0x380, s14;
	v44 =	vld [tilespmem:s16+$0x280];
	v58 =	vadd.s32 v29, v1;
	v1 =	vadd.s32 v13, v8;
	v13 =	vadd.s32 v50, v59  }
0x16a: {  	s4 =	sor.u32 s4, s29;
	v5 =	vadd.s32 v23, v5;
	v48 =	vld [tilespmem:s16+$0x300];
	v6 =	vadd.s32 v7, v6;
	v7 =	vadd.s32 v45, v13  }
0x16b: {  	v14 =	vadd.s32 v19, v14;
	v51 =	vld [tilespmem:s16+$0x380];
	[tilespmem:s4+$0xF480] =	vst v46;
	v5 =	vadd.s32 v24, v5;
	v3 =	vadd.s32 v3, v7  }
0x16c: {  	v5 =	vadd.s32 v25, v5;
	v1 =	vadd.s32 v12, v1;
	v2 =	vadd.s32 v2, v3;
	v3 =	vld [tilespmem:$0x1FFB0];
	[tilespmem:s4+$0xF200] =	vst v9  }
0x16d: {  	s11 =	sor.u32 s0, s5;
	v5 =	vadd.s32 v26, v5;
	v1 =	vadd.s32 v10, v1;
	v2 =	vadd.s32 v4, v2;
	v4 =	vld [tilespmem:$0x1FFC0]  }
0x16e: {  	v14 =	vadd.s32 v20, v14;
	s10 =	sor.u32 s0, s10;
	v60 =	vld [tilespmem:s11+$0x0];
	v5 =	vadd.s32 v27, v5;
	v1 =	vadd.s32 v55, v1  }
0x16f: {  	s26 =	simm.s32 $0xF200;
	s17 =	sor.u32 s0, s17;
	v5 =	vadd.s32 v28, v5;
	v6 =	vadd.s32 v41, v6;
	v8 =	vld [tilespmem:s10+$0x0];
	v1 =	vadd.s32 v52, v1  }
0x170: {  	s21 =	sor.u32 s0, s23;
	s23 =	simm.s32 $0x20;
	s12 =	sor.u32 s0, s6;
	v63 =	vld [tilespmem:s17+$0x0];
	v5 =	vadd.s32 v21, v5;
	v6 =	vadd.s32 v44, v6;
	v1 =	vadd.s32 v15, v1  }
0x171: {  	s22 =	simm.s32 $0xF480;
	v61 =	vld [tilespmem:s12+$0x0];
	v5 =	vadd.s32 v57, v5;
	v6 =	vadd.s32 v48, v6;
	s4 =	sand.u32 $0x380, s23;
	[tilespmem:s26+$0x0] =	vst v14;
	v3 =	vadd.s32 v3, v1  }
0x172: {  	s4 =	sor.u32 s4, s19;
	v9 =	vld [tilespmem:$0x1FFD0];
	[tilespmem:s22+$0x0] =	vst v5;
	v3 =	vadd.s32 v4, v3;
	v4 =	vadd.s32 v51, v6  }
0x173: {  	v5 =	vld [tilespmem:$0x1FFE0];
	[tilespmem:s4+$0xF480] =	vst v58;
	v4 =	vadd.s32 v54, v4  }
0x174: {  	s16 =	sor.u32 s0, s18;
	v4 =	vadd.s32 v8, v4;
	v8 =	vld [tilespmem:$0x1FFF0]  }
0x175: {  	s3 =	sor.u32 s0, s3;
	v7 =	vld [tilespmem:s16+$0x0]  }
0x176: {  	s18 =	sor.u32 s0, s15;
	v1 =	vld [tilespmem:s3+$0x0];
	v6 =	vadd.s32 v53, v2  }
0x177: {  	v2 =	vld [tilespmem:s18+$0x0];
	v9 =	vadd.s32 v9, v3;
	v6 =	vadd.s32 v56, v6  }
0x178: {  	s25 =	sor.u32 s0, s25;
	s24 =	sor.u32 s0, s20;
	v3 =	vld [tilespmem:s21+$0x0];
	v5 =	vadd.s32 v5, v9;
	v6 =	vadd.s32 v60, v6  }
0x179: {  	s28 =	sor.u32 s0, s31;
	s31 =	simm.s32 $0x200;
	s29 =	sor.u32 s0, s1;
	v6 =	vadd.s32 v62, v6;
	v5 =	vadd.s32 v8, v5;
	v8 =	vadd.s32 v61, v4;
	v4 =	vld [tilespmem:s24+$0x0]  }
0x17a: {  	s1 =	sor.u32 s0, s2;
	s30 =	simm.s32 $0x2;
	s0 =	simm.s32 $0x40;
	v6 =	vadd.s32 v63, v6;
	[tilespmem:s4+$0xF200] =	vst v5;
	v7 =	vadd.s32 v7, v8;
	v5 =	vld [tilespmem:s25+$0x0]  }
.LBB2_16:
0x17b: {  	s17 =	sand.u32 $0x60, s0;
	s18 =	sand.u32 $0x1C00, s31  }
0x17c: {  	v8 =	vld [tilespmem:s28+$0x0];
	s15 =	sor.u32 $0x10, s17;
	s3 =	sadd.s32 $0x9180, s18  }
0x17d: {  	v9 =	vld [tilespmem:s29+$0x0];
	s16 =	sadd.s32 $0x8F80, s18;
	s5 =	sor.u32 s15, s3  }
0x17e: {  	s4 =	sadd.s32 $0x6980, s18;
	s19 =	sor.u32 s15, s16;
	v2 =	vadd.s32 v2, v6;
	v6 =	vld [tilespmem:s5+$0x0]  }
0x17f: {  	s6 =	sadd.s32 $0x9100, s18;
	s14 =	sadd.s32 $0x7A00, s18;
	s28 =	sor.u32 s17, s4;
	v10 =	vld [tilespmem:s19+$0x0]  }
0x180: {  	s5 =	sadd.s32 $0x6880, s18;
	v1 =	vadd.s32 v1, v7;
	v7 =	vld [tilespmem:s1+$0x0];
	s1 =	sor.u32 s15, s4;
	s4 =	sadd.s32 $0x6900, s18  }
0x181: {  	s7 =	sor.u32 s17, s5;
	v3 =	vadd.s32 v3, v1;
	v1 =	vld [tilespmem:s1+$0x0];
	s2 =	sor.u32 s17, s4;
	s4 =	sor.u32 s15, s4  }
0x182: {  	s8 =	sadd.s32 $0x9080, s18;
	v4 =	vadd.s32 v4, v2;
	[dreg:$0x6] =	wrdreg s7;
	s7 =	sor.u32 s15, s14;
	v2 =	vld [tilespmem:s4+$0x0]  }
0x183: {  	s29 =	sor.u32 s17, s3;
	s3 =	sor.u32 s15, s6;
	s5 =	sor.u32 s15, s5;
	v3 =	vadd.s32 v5, v3;
	v11 =	vld [tilespmem:s7+$0x0]  }
0x184: {  	s1 =	sor.u32 s17, s6;
	s6 =	sadd.s32 $0x7A80, s18;
	s4 =	sor.u32 s15, s8;
	v5 =	vadd.s32 v8, v3;
	v3 =	vld [tilespmem:s5+$0x0]  }
0x185: {  	s26 =	sadd.s32 $0x20, s26;
	s20 =	sadd.s32 $0x7B00, s18;
	s21 =	sor.u32 s15, s6;
	v8 =	vld [tilespmem:s4+$0x0]  }
0x186: {  	s25 =	sadd.s32 $0x7B80, s18;
	[dreg:$0x5] =	wrdreg s2;
	s2 =	sor.u32 s15, s20;
	v12 =	vld [tilespmem:s21+$0x0]  }
0x187: {  	s12 =	sadd.s32 $0x9000, s18;
	s10 =	sor.u32 s17, s8;
	s8 =	sor.u32 s15, s25;
	v13 =	vld [tilespmem:s2+$0x0]  }
0x188: {  	s13 =	sadd.s32 $0x6780, s18;
	s23 =	sor.u32 s17, s12;
	s5 =	sor.u32 s15, s12;
	v14 =	vld [tilespmem:s8+$0x0]  }
0x189: {  	[dreg:$0x7] =	wrdreg s10;
	s10 =	sadd.s32 $0x7C80, s18;
	s4 =	sor.u32 s15, s13;
	v39 =	vld [tilespmem:s5+$0x0]  }
0x18a: {  	s19 =	sadd.s32 $0x7D00, s18;
	s12 =	sor.u32 s17, s20;
	s20 =	sor.u32 s15, s10;
	[tilespmem:s26+$0x0] =	vst v5;
	v5 =	vld [tilespmem:s4+$0x0]  }
0x18b: {  	s2 =	sor.u32 s15, s19;
	v16 =	vld [tilespmem:s20+$0x0]  }
0x18c: {  	s9 =	sadd.s32 $0x6800, s18;
	v40 =	vld [tilespmem:s2+$0x0];
	v4 =	vadd.s32 v7, v4  }
0x18d: {  	s22 =	sadd.s32 $0x20, s22;
	s7 =	sadd.s32 $0x7C00, s18;
	v7 =	vld [tilespmem:s3+$0x0];
	s3 =	sor.u32 s15, s9;
	v4 =	vadd.s32 v9, v4  }
0x18e: {  	s11 =	sor.u32 s17, s9;
	[tilespmem:s22+$0x0] =	vst v4;
	v4 =	vld [tilespmem:s3+$0x0];
	s3 =	sor.u32 s17, s13;
	s13 =	sor.u32 s15, s7  }
0x18f: {  	[dreg:$0x8] =	wrdreg s11;
	s14 =	sor.u32 s17, s14;
	s24 =	sor.u32 s17, s6;
	v15 =	vld [tilespmem:s13+$0x0]  }
0x190: {  	s11 =	sor.u32 s17, s7;
	s9 =	sor.u32 s17, s25;
	s25 =	sadd.s32 $0x7D80, s18;
	v18 =	vld [tilespmem:s14+$0x0]  }
0x191: {  	s21 =	sor.u32 s17, s10;
	s7 =	sadd.s32 $0x8E00, s18;
	v11 =	vadd.s32 v11, v12;
	s13 =	sor.u32 s15, s25;
	v20 =	vld [tilespmem:s24+$0x0]  }
0x192: {  	s10 =	sor.u32 s17, s19;
	s19 =	sadd.s32 $0x8E80, s18;
	s20 =	sor.u32 s15, s7;
	v11 =	vadd.s32 v13, v11;
	v41 =	vld [tilespmem:s13+$0x0]  }
0x193: {  	s2 =	sadd.s32 $0x8F00, s18;
	s8 =	sor.u32 s17, s25;
	s25 =	sor.u32 s15, s19;
	v42 =	vld [tilespmem:s20+$0x0];
	v11 =	vadd.s32 v14, v11  }
0x194: {  	s5 =	sor.u32 s17, s19;
	s19 =	sor.u32 s15, s2;
	v43 =	vld [tilespmem:s25+$0x0];
	v11 =	vadd.s32 v15, v11  }
0x195: {  	v44 =	vld [tilespmem:s19+$0x0];
	v11 =	vadd.s32 v16, v11  }
0x196: {  	v54 =	vld [tilespmem:s9+$0x0];
	v11 =	vadd.s32 v40, v11  }
0x197: {  	s6 =	sor.u32 s17, s7;
	v57 =	vld [tilespmem:s11+$0x0];
	s13 =	sadd.s32 $0x6700, s18;
	v11 =	vadd.s32 v41, v11  }
0x198: {  	v59 =	vld [tilespmem:s21+$0x0];
	s25 =	sadd.s32 $0x6680, s18;
	s7 =	sor.u32 s17, s13;
	s13 =	sor.u32 s15, s13;
	v11 =	vadd.s32 v42, v11  }
0x199: {  	s20 =	sadd.s32 $0x5200, s18;
	s4 =	sor.u32 s17, s25;
	s25 =	sor.u32 s15, s25;
	v45 =	vld [tilespmem:s13+$0x0];
	v11 =	vadd.s32 v43, v11  }
0x19a: {  	s19 =	sadd.s32 $0x6600, s18;
	s18 =	sor.u32 s17, s2;
	s2 =	sor.u32 s15, s20;
	v46 =	vld [tilespmem:s25+$0x0];
	v11 =	vadd.s32 v44, v11  }
0x19b: {  	v47 =	vld [tilespmem:s2+$0x380];
	v10 =	vadd.s32 v10, v11  }
0x19c: {  	v48 =	vld [tilespmem:s2+$0x300];
	v9 =	vadd.s32 v39, v10  }
0x19d: {  	v49 =	vld [tilespmem:s2+$0x280];
	v8 =	vadd.s32 v8, v9  }
0x19e: {  	v7 =	vadd.s32 v7, v8;
	v8 =	vld [tilespmem:s2+$0x0]  }
0x19f: {  	v6 =	vadd.s32 v6, v7;
	v7 =	vld [tilespmem:s2+$0x80]  }
0x1a0: {  	v52 =	vld [tilespmem:s2+$0x100]  }
0x1a1: {  	v51 =	vld [tilespmem:s2+$0x180]  }
0x1a2: {  	s13 =	sor.u32 s17, s19;
	s19 =	sor.u32 s15, s19;
	v50 =	vld [tilespmem:s2+$0x200]  }
0x1a3: {  	s25 =	sor.u32 s17, s20;
	v17 =	vld [tilespmem:s19+$0x0]  }
0x1a4: {  	s20 =	sand.u32 $0x380, s0;
	v19 =	vld [tilespmem:s25+$0x80];
	v7 =	vadd.s32 v8, v7  }
0x1a5: {  	s15 =	sor.u32 s20, s15;
	v21 =	vld [tilespmem:s25+$0x100];
	v7 =	vadd.s32 v52, v7  }
0x1a6: {  	[tilespmem:s15+$0xF480] =	vst v6;
	v6 =	vld [tilespmem:s25+$0x0];
	v7 =	vadd.s32 v51, v7  }
0x1a7: {  	v8 =	vld [tilespmem:s12+$0x0];
	v7 =	vadd.s32 v50, v7  }
0x1a8: {  	v53 =	vld [tilespmem:s25+$0x180];
	v7 =	vadd.s32 v49, v7  }
0x1a9: {  	v56 =	vld [tilespmem:s25+$0x200];
	v7 =	vadd.s32 v48, v7  }
0x1aa: {  	v58 =	vld [tilespmem:s25+$0x280];
	v7 =	vadd.s32 v47, v7  }
0x1ab: {  	v60 =	vld [tilespmem:s25+$0x300];
	v55 =	vadd.s32 v18, v20;
	v6 =	vadd.s32 v6, v19;
	v7 =	vadd.s32 v17, v7  }
0x1ac: {  	v61 =	vld [tilespmem:s10+$0x0];
	v6 =	vadd.s32 v21, v6;
	v8 =	vadd.s32 v8, v55;
	v7 =	vadd.s32 v46, v7  }
0x1ad: {  	v62 =	vld [tilespmem:s25+$0x380];
	v6 =	vadd.s32 v53, v6;
	v8 =	vadd.s32 v54, v8;
	v7 =	vadd.s32 v45, v7  }
0x1ae: {  	v6 =	vadd.s32 v56, v6;
	v8 =	vadd.s32 v57, v8;
	v5 =	vadd.s32 v5, v7;
	v7 =	vld [tilespmem:s8+$0x0]  }
0x1af: {  	v6 =	vadd.s32 v58, v6;
	v4 =	vadd.s32 v4, v5;
	v5 =	vadd.s32 v59, v8;
	v8 =	vld [tilespmem:s13+$0x0]  }
0x1b0: {  	v3 =	vadd.s32 v3, v4;
	v4 =	vadd.s32 v60, v6;
	v6 =	vld [tilespmem:s6+$0x0]  }
0x1b1: {  	v2 =	vadd.s32 v2, v3;
	v3 =	vadd.s32 v61, v5;
	v5 =	vld [tilespmem:s4+$0x0]  }
0x1b2: {  	v1 =	vadd.s32 v1, v2;
	v2 =	vadd.s32 v62, v4;
	v4 =	vld [tilespmem:s5+$0x0]  }
0x1b3: {  	[tilespmem:s15+$0xF200] =	vst v1;
	v1 =	vadd.s32 v7, v3;
	v3 =	vld [tilespmem:s7+$0x0]  }
0x1b4: {  	v7 =	vld [tilespmem:s18+$0x0]  }
0x1b5: {  	s30 =	sadd.s32 $0x2, s30;
	s17 =	sor.u32 s17, s16;
	v2 =	vadd.s32 v8, v2;
	v1 =	vadd.s32 v6, v1;
	v6 =	vld [tilespmem:s3+$0x0]  }
0x1b6: {  	p0 =	slt.u32 s30, $0x26;
	s21 =	rddreg [dreg:$0x8];
	v2 =	vadd.s32 v5, v2;
	v5 =	vld [tilespmem:s17+$0x0]  }
.Ltmp7:
0x1b7: {  	v4 =	vadd.s32 v4, v1;
	v1 =	vld [tilespmem:s21+$0x0];
	(pc) =	sbr.rel @p0 .LBB2_16-.Ltmp7, $4  }
0x1b8: {  	s24 =	rddreg [dreg:$0x7];
	v8 =	vadd.s32 v3, v2;
	v2 =	vld [tilespmem:s23+$0x0]  }
0x1b9: {  	v63 =	vadd.s32 v7, v4;
	s23 =	rddreg [dreg:$0x6];
	v4 =	vld [tilespmem:s24+$0x0]  }
0x1ba: {  	s25 =	rddreg [dreg:$0x5];
	v3 =	vld [tilespmem:s23+$0x0]  }
0x1bb: {  	s31 =	sadd.s32 $0x100, s31;
	s0 =	sadd.s32 $0x20, s0;
	v7 =	vadd.s32 v6, v8;
	v6 =	vadd.s32 v5, v63;
	v5 =	vld [tilespmem:s25+$0x0]  }
0x1bc: {  	v8 =	vld [tilespmem:s1+$0x0]  }
0x1bd: {  	v9 =	vld [tilespmem:s28+$0x0]  }
0x1be: {  	v10 =	vld [tilespmem:s29+$0x0]  }
0x1bf: {  	v1 =	vadd.s32 v1, v7  }
0x1c0: {  	v2 =	vadd.s32 v2, v6;
	v1 =	vadd.s32 v3, v1  }
0x1c1: {  	v2 =	vadd.s32 v4, v2;
	v1 =	vadd.s32 v5, v1  }
0x1c2: {  	s0 =	sadd.s32 $0x20, s26;
	v2 =	vadd.s32 v8, v2;
	v1 =	vadd.s32 v9, v1  }
0x1c3: {  	s25 =	sadd.s32 $0x20, s22;
	v2 =	vadd.s32 v10, v2;
	[tilespmem:s0+$0x0] =	vst v1  }
0x1c4: {  	s5 =	simm.s32 $0x80;
	[tilespmem:s25+$0x0] =	vst v2  }
0x1c5: {  	s26 =	simm.s32 $0x200;
	s2 =	simm.s32 $0xF200;
	s0 =	rddreg [dreg:$0xf]  }
0x1c6: {  	[hbm4b:s0+s5] =	stream.strided.scatter [tilespmem:s2], [sflag:$0x1], $0x280, s26, s5, $0x38;
	[tilespmem:$0x14700] =	vst v63  }
0x1c7: {  	s29 =	simm.s32 $0xF480;
	s3 =	simm.s32 $0x1;
	s28 =	rddreg [dreg:$0x10]  }
0x1c8: {  	[hbm4b:s28+s5] =	stream.strided.scatter [tilespmem:s29], [sflag:$0x1], $0x280, s26, s5, $0x38;
	[tilespmem:$0x14700] =	vst v63  }
0x1c9: {  	_ =	swait.ge [sflag:s3], $0x280  }
0x1ca: {  	[sflag:s3] =	ssyncset.done $0x0  }
0x1cb: {  	[sflag:s3] =	ssyncadd.s32 $0xFFFFFD80  }
0x1cc: {  	_ =	swait.ge [sflag:s3], $0x280  }
0x1cd: {  	s30 =	rddreg [dreg:$0x12]  }
0x1ce: {  	s31 =	rddreg [dreg:$0x11];
	s1 =	sadd.s32 $0x1, s30  }
0x1cf: {  	p0 =	sne.s32 s1, s31  }
.Ltmp8:
0x1d0: {  	_ = 	snop;
	(pc) =	sbr.rel @p0 .LBB2_1-.Ltmp8, $4  }
.Ltmp9:
0x1d1: {  	_ = 	snop;
	(pc) =	sbr.rel @!p0 .LBB2_18-.Ltmp9, $4  }
0x1d2: {  	_ = 	snop  }
0x1d3: {  	s4 =	simm.s32 $0xA200;
	s6 =	simm.s32 $0x400;
	[sflag:s3] =	ssyncset.done $0x0  }
0x1d4: {  	s7 =	simm.s32 $0xCA00;
	s8 =	rddreg [dreg:$0xa];
	[sflag:s3] =	ssyncadd.s32 $0xFFFFFD80  }
0x1d5: {  	_ = 	snop  }
.LBB2_4:
.Ltmp10:
0x1d6: {  	(pc) =	sbr.rel .LBB2_9-.Ltmp10, $2  }
0x1d7: {  	_ =	sdelay $0x2  }
0x1d8: {  	_ = 	snop  }
.LBB2_10:
.Ltmp11:
0x1d9: {  	(pc) =	sbr.rel .LBB2_15-.Ltmp11, $2  }
0x1da: {  	_ =	sdelay $0x2  }
0x1db: {  	_ = 	snop  }
.LBB2_6:
.Ltmp12:
0x1dc: {  	(pc) =	sbr.rel .LBB2_9-.Ltmp12, $3  }
0x1dd: {  	_ =	sdelay $0x1  }
0x1de: {  	v18 =	vmovc v1;
	v1 =	vmov v11;
	v17 =	vmov v8;
	v16 =	vmov v7  }
0x1df: {  	v13 =	vmovc v2;
	v14 =	vmovc v3;
	v15 =	vmov v4;
	v12 =	vmov v5;
	v10 =	vmov v6  }
.LBB2_12:
.Ltmp13:
0x1e0: {  	(pc) =	sbr.rel .LBB2_15-.Ltmp13, $3  }
0x1e1: {  	_ =	sdelay $0x1  }
0x1e2: {  	v18 =	vmovc v1;
	v1 =	vmov v11;
	v17 =	vmov v8;
	v16 =	vmov v7  }
0x1e3: {  	v13 =	vmovc v2;
	v14 =	vmovc v3;
	v15 =	vmov v4;
	v12 =	vmov v5;
	v10 =	vmov v6  }
.LBB2_18:
0x1e4: {  	_ =	sfence.sel $0x180000  }
0x1e5: {  	[bflag:$0x0] =	sbarrier.arrive $0xFFFF  }
0x1e6: {  	_ =	strace $0x90000047  }
0x1e7: {  	s0 =	stileid.u32;
	[bflag:$0x2] =	sbarrier.arrive $0xFFFF  }
0x1e8: {  	p0 =	sne.s32 s0, $0x0;
	s0 =	rddreg [dreg:$0x4]  }
0x1e9: {  	s0 =	sadd.s32 @!p0 $0x100000, s0  }
0x1ea: {  	[sflag:s0] =	ssyncadd.tile.s32 @!p0 $0x1;
	_ =	shalt  }
.Lfunc_end2:
_tile_overlayer_lowered:
.L_overlay_start_2:
0x1eb: {  	(tag) =	ssettag $0x2  }
0x1ec: {  	s0 =	rddreg [dreg:$0x0];
	s2 =	stileid.u32  }
0x1ed: {  	s1 =	rddreg [dreg:$0x1];
	p0 =	sne.s32 s2, $0x0  }
0x1ee: {  	s3 =	rddreg [dreg:$0x2];
	[bflag:$0x3] =	sbarrier.arrive $0xFFFF;
	s2 =	simm.s32 @!p0 $0x1C02  }
0x1ef: {  	[timem:s3], [sflag:s2] =	dma.local @!p0 [hbm:s0], s1  }
0x1f0: {  	s0 =	simm.s32 @!p0 $0x2  }
0x1f1: {  	_ =	swait.ge @!p0 [sflag:s0], s1  }
0x1f2: {  	s1 =	ssub.s32 @!p0 $0x0, s1;
	[sflag:s0] =	ssyncset.done @!p0 $0x0  }
0x1f3: {  	[sflag:s0] =	ssyncadd.s32 @!p0 s1  }
0x1f4: {  	[bflag:$0x3] =	sbarrier.arrive $0xFFFF  }
0x1f5: {  	_ =	shalt  }

</sc_bundles>
